<compile_context>
chip_gen: v7x
topology: tpu7x:2x2x1
jax: 0.10.2.dev20260603
libtpu: 0.0.44.dev20260713+nightly
codegen_flags: <defaults>
</compile_context>

<pallas_src>
import jax
import jax.numpy as jnp
from jax.experimental import pallas as pl
from jax.experimental.pallas import tpu as pltpu
from jax.experimental.pallas import tpu_sc as plsc

OMEGA = 64
SINK_TOKENS = 4
K_WINDOWS = 3
START_IDX = 1
P_RATIO = 0.25

H = 16
S = 2048
D = 128

_LOCAL_NUM = max(0, int(P_RATIO * S) // OMEGA)
_CACHE_SIZE = OMEGA * (1 + _LOCAL_NUM + K_WINDOWS + START_IDX) + SINK_TOKENS
_LOCAL_BUDGET = _LOCAL_NUM * OMEGA
_SCORE_END0 = max(SINK_TOKENS, S - _LOCAL_BUDGET)
NUM_WIN = max(0, (_SCORE_END0 - SINK_TOKENS) // OMEGA)
SCORE_END = SINK_TOKENS + NUM_WIN * OMEGA
LOCAL_COUNT = S - SCORE_END
N_KEEP = min(NUM_WIN, max(0, (_CACHE_SIZE - SINK_TOKENS - LOCAL_COUNT) // OMEGA))
KEPT = SINK_TOKENS + N_KEEP * OMEGA + LOCAL_COUNT

COLS = 1536
MID_END = SINK_TOKENS + N_KEEP * OMEGA
N_IDX = H * KEPT
IDX_COLS = 104
IDX_ROWS = N_IDX // IDX_COLS


QCHUNKS = 4
QBLK = S // QCHUNKS


def _reduce_select_body(attn_ref, sid_ref, acc_ref):
    h = pl.program_id(0)
    acc_ref[h, 0, :] = jnp.sum(attn_ref[0, 0, :, :], axis=0)

    @pl.when(h == H - 1)
    def _select():
        _select_compute(acc_ref[:, 0, :], sid_ref)


def _select_compute(cs, sid_ref):
    wcols = [
        jnp.sum(cs[:, SINK_TOKENS + OMEGA * w: SINK_TOKENS + OMEGA * (w + 1)],
                axis=1, keepdims=True)
        for w in range(NUM_WIN)
    ]
    s = jnp.concatenate(wcols, axis=1)

    col = jax.lax.broadcasted_iota(jnp.int32, (H, NUM_WIN), 1)
    rank = jnp.zeros((H, NUM_WIN), jnp.int32)
    for j in range(NUM_WIN):
        sj = s[:, j:j + 1]
        beats = (sj > s) | ((sj == s) & (j < col))
        rank = rank + beats.astype(jnp.int32)
    keep = rank < N_KEEP

    ki = keep.astype(jnp.int32)
    run = jnp.zeros((H, 1), jnp.int32)
    pref_cols = []
    for i in range(NUM_WIN):
        pref_cols.append(run)
        run = run + ki[:, i:i + 1]
    pref = jnp.concatenate(pref_cols, axis=1)

    w_sel = [
        jnp.sum(jnp.where(keep & (pref == p), col, 0), axis=1, keepdims=True)
        for p in range(N_KEEP)
    ]
    wcode = (w_sel[0] + w_sel[1] * 32 + w_sel[2] * 1024
             + w_sel[3] * 32768)

    shp = (N_UNITS, CHUNKS_PER_UNIT, IDX_COLS)
    u = jax.lax.broadcasted_iota(jnp.int32, shp, 0)
    cc = jax.lax.broadcasted_iota(jnp.int32, shp, 1)
    j = jax.lax.broadcasted_iota(jnp.int32, shp, 2)
    r = u * CHUNKS_PER_UNIT + cc
    hrow = r // (IDX_ROWS // H)
    c = (r % (IDX_ROWS // H)) * IDX_COLS + j
    code = sum(jnp.where(hrow == h, 1, 0) * wcode[h:h + 1, 0:1].reshape(1, 1, 1)
               for h in range(H))
    p_idx = jnp.clip((c - SINK_TOKENS) // OMEGA, 0, N_KEEP - 1)
    wbase = sum(((p_idx == p).astype(jnp.int32) * (code // (32 ** p) % 32))
                for p in range(N_KEEP))
    mid = SINK_TOKENS + (c - SINK_TOKENS) % OMEGA + OMEGA * wbase
    sid = jnp.where(c < SINK_TOKENS, c,
                    jnp.where(c < MID_END, mid, SCORE_END + (c - MID_END)))
    sid_ref[...] = sid + hrow * S


def _compute_survivors(attn_score_cache):
    return pl.pallas_call(
        _reduce_select_body,
        grid=(H,),
        in_specs=[pl.BlockSpec((1, 1, S, COLS), lambda h: (0, h, 0, 0))],
        out_specs=pl.BlockSpec((N_UNITS, CHUNKS_PER_UNIT, IDX_COLS),
                               lambda h: (0, 0, 0)),
        out_shape=jax.ShapeDtypeStruct((N_UNITS, CHUNKS_PER_UNIT, IDX_COLS),
                                       jnp.int32),
        scratch_shapes=[pltpu.VMEM((H, 1, COLS), jnp.float32)],
    )(attn_score_cache)


N_SC_CORES = 2
N_SUBCORES = 16
N_UNITS = N_SC_CORES * N_SUBCORES
CHUNKS_PER_UNIT = IDX_ROWS // N_UNITS


def _sc_gather(k2, v2, idx):
    mesh = plsc.VectorSubcoreMesh(core_axis_name="core",
                                  subcore_axis_name="subcore")
    out_sds = jax.ShapeDtypeStruct((N_IDX, D), jnp.float32)
    nbuf = CHUNKS_PER_UNIT

    @pl.kernel(
        out_type=(out_sds, out_sds),
        mesh=mesh,
        scratch_types=[pltpu.VMEM((CHUNKS_PER_UNIT, IDX_COLS), jnp.int32),
                       pltpu.VMEM((nbuf, IDX_COLS, D), jnp.float32),
                       pltpu.VMEM((nbuf, IDX_COLS, D), jnp.float32),
                       pltpu.SemaphoreType.DMA,
                       pltpu.SemaphoreType.DMA((CHUNKS_PER_UNIT,)),
                       pltpu.SemaphoreType.DMA((CHUNKS_PER_UNIT,)),
                       pltpu.SemaphoreType.DMA],
    )
    def kfn(k_hbm, v_hbm, i_hbm, ko_hbm, vo_hbm,
            idx_vmem, kbuf, vbuf,
            sem_i, sem_gk, sem_gv, sem_o):
        core = jax.lax.axis_index("core")
        sub = jax.lax.axis_index("subcore")
        unit = core * N_SUBCORES + sub
        pltpu.async_copy(i_hbm.at[unit], idx_vmem, sem_i).wait()
        gathers = []
        for c in range(CHUNKS_PER_UNIT):
            ids = idx_vmem.at[c]
            gk = pltpu.async_copy(k_hbm.at[ids], kbuf.at[c], sem_gk.at[c])
            gv = pltpu.async_copy(v_hbm.at[ids], vbuf.at[c], sem_gv.at[c])
            gathers.append((gk, gv))
        out_copies = []
        for c in range(CHUNKS_PER_UNIT):
            gk, gv = gathers[c]
            gk.wait()
            gv.wait()
            row = unit * CHUNKS_PER_UNIT + c
            dst = pl.ds(row * IDX_COLS, IDX_COLS)
            out_copies.append(
                pltpu.async_copy(kbuf.at[c], ko_hbm.at[dst, :], sem_o))
            out_copies.append(
                pltpu.async_copy(vbuf.at[c], vo_hbm.at[dst, :], sem_o))
        for cp in out_copies:
            cp.wait()

    return kfn(k2, v2, idx)


def kernel(past_key, past_value, attn_score_cache):
    sid = _compute_survivors(attn_score_cache)
    k2 = past_key.reshape(H * S, D)
    v2 = past_value.reshape(H * S, D)
    ko, vo = _sc_gather(k2, v2, sid)
    return (ko.reshape(1, H, KEPT, D), vo.reshape(1, H, KEPT, D))

# --- scband reference (transcript-rebuilt; emitter-appended) ---
"""Pipeline reference for scband-stickykvcache-layer-wise-75239237091857 (READ-ONLY COPY).

The authoritative reference and input builder live on the scoring server;
editing this copy changes nothing except your own understanding.
"""

import jax, jax.numpy as jnp
import numpy as np

# sticky_config constants (module depends on external sticky_config; hardcoded here)
OMEGA = 64
SINK_TOKENS = 4
K_WINDOWS = 3
START_IDX = 1
P_RATIO = 0.25

H = 16
S = 2048
D = 128


def setup_inputs(seed: int = 0) -> dict:
    key = jax.random.key(seed)
    k1, k2, k3 = jax.random.split(key, 3)
    past_key = jax.random.normal(k1, (1, H, S, D), dtype=jnp.float32)
    past_value = jax.random.normal(k2, (1, H, S, D), dtype=jnp.float32)
    attn_score_cache = jax.random.uniform(k3, (1, H, S, S), dtype=jnp.float32)
    return {"past_key": past_key, "past_value": past_value, "attn_score_cache": attn_score_cache}


def reference(past_key, past_value, attn_score_cache):
    # Prefill-stage (num_new_tokens > 1) path of STICKYKVCache_LayerWise.__call__:
    # compute per-head window attention scores, keep sink tokens + top-scoring
    # windows + local (recent) tokens, and evict the rest from the KV cache.
    seq_len = past_key.shape[2]
    num_heads = past_key.shape[1]

    # _update_k_win_and_local_num: local window budget from P_RATIO of prompt
    local_num = max(0, int(P_RATIO * seq_len) // OMEGA)
    cache_size = OMEGA * (1 + local_num + K_WINDOWS + START_IDX) + SINK_TOKENS

    local_tokens_budget = local_num * OMEGA
    score_end = max(SINK_TOKENS, seq_len - local_tokens_budget)
    num_windows = max(0, (score_end - SINK_TOKENS) // OMEGA)
    score_end = SINK_TOKENS + num_windows * OMEGA
    local_tokens_count = seq_len - score_end

    # window scores: sum attention mass each head puts on each omega-sized window
    scores_slice = attn_score_cache[0, :, :seq_len, SINK_TOKENS:score_end]  # [H, S, W*omega]
    obs_sum = scores_slice.sum(axis=1)                                      # [H, W*omega]
    win_scores = obs_sum.reshape(num_heads, num_windows, OMEGA).sum(axis=2).astype(jnp.float32)  # [H, W]

    # _evict_from_window_scores: keep top windows fitting in the cache budget
    n_keep_windows = min(num_windows, max(0, (cache_size - SINK_TOKENS - local_tokens_count) // OMEGA))
    _, top_idx = jax.lax.top_k(win_scores, n_keep_windows)  # [H, n_keep]
    top_idx = jnp.sort(top_idx, axis=1)

    # window_to_token_map buffer
    win_ids = jnp.arange(num_windows)
    token_map = win_ids[:, None] * OMEGA + SINK_TOKENS + jnp.arange(OMEGA)[None, :]  # [W, omega]
    win_tokens = jnp.take(token_map, top_idx, axis=0)  # [H, n_keep, omega]
    win_tokens = win_tokens.reshape(num_heads, n_keep_windows * OMEGA)

    sink_idx = jnp.broadcast_to(jnp.arange(SINK_TOKENS)[None, :], (num_heads, SINK_TOKENS))
    local_idx = jnp.broadcast_to(jnp.arange(score_end, seq_len)[None, :], (num_heads, local_tokens_count))
    survivor_ids = jnp.concatenate([sink_idx, win_tokens, local_idx], axis=1)  # [H, kept]
    survivor_ids = jnp.sort(survivor_ids, axis=1)

    # per-head gather (evict from KV cache)
    k = past_key[0]   # [H, S, D]
    v = past_value[0]
    k_new = jnp.take_along_axis(k, survivor_ids[:, :, None], axis=1)
    v_new = jnp.take_along_axis(v, survivor_ids[:, :, None], axis=1)
    return (k_new[None], v_new[None])

if __name__ == "__main__":
    import jax
    _d = setup_inputs()
    print(jax.jit(kernel)(*tuple(_d.values())))

</pallas_src>

<mosaic_0001>
#map = affine_map<(d0, d1) -> (0, 0)>
#map1 = affine_map<(d0, d1) -> (0, 0, 0)>
module attributes {stable_mosaic.version = 14 : i64} {
  func.func @kfn(%arg0: i32, %arg1: i32, %arg2: memref<32768x128xf32, #tpu.memory_space<hbm>>, %arg3: memref<32768x128xf32, #tpu.memory_space<hbm>>, %arg4: memref<32x4x104xi32, #tpu.memory_space<hbm>>, %arg5: memref<13312x128xf32, #tpu.memory_space<hbm>>, %arg6: memref<13312x128xf32, #tpu.memory_space<hbm>>, %arg7: memref<4x104xi32, #tpu.memory_space<vmem>>, %arg8: memref<4x104x128xf32, #tpu.memory_space<vmem>>, %arg9: memref<4x104x128xf32, #tpu.memory_space<vmem>>, %arg10: memref<!tpu.dma_semaphore, #tpu.memory_space<semaphore_mem>>, %arg11: memref<4x!tpu.dma_semaphore, #tpu.memory_space<semaphore_mem>>, %arg12: memref<4x!tpu.dma_semaphore, #tpu.memory_space<semaphore_mem>>, %arg13: memref<!tpu.dma_semaphore, #tpu.memory_space<semaphore_mem>>) attributes {dimension_semantics = [#tpu.dimension_semantics<core_parallel>, #tpu.dimension_semantics<subcore_parallel>], iteration_bounds = array<i64: 2, 16>, scalar_prefetch = 0 : i64, scratch_operands = 7 : i64, tpu.core_type = #tpu.core_type<sc_vector_subcore>, window_params = [{transform_indices = #map}, {transform_indices = #map}, {transform_indices = #map1}, {transform_indices = #map}, {transform_indices = #map}]} {
    %mul3A = arith.constant 16 : i32
    %mul3A_0 = arith.muli %arg0, %mul3A : i32
    %add3A = arith.addi %mul3A_0, %arg1 : i32
    %dma_start3A = arith.constant 0 : i32
    %dma_start3A_1 = arith.constant 0 : i32
    %dma_start3A_2 = tpu.memref_slice %arg4[%add3A, %dma_start3A, %dma_start3A_1] : memref<32x4x104xi32, #tpu.memory_space<hbm>> -> memref<1x4x104xi32, #tpu.memory_space<hbm>>
    %dma_start3A_3 = tpu.memref_squeeze %dma_start3A_2 : memref<1x4x104xi32, #tpu.memory_space<hbm>> -> memref<4x104xi32, #tpu.memory_space<hbm>>
    %dma_start3A_4 = arith.constant 0 : i32
    %dma_start3A_5 = arith.constant 0 : i32
    %dma_start3A_6 = tpu.memref_slice %arg4[%add3A, %dma_start3A_4, %dma_start3A_5] : memref<32x4x104xi32, #tpu.memory_space<hbm>> -> memref<1x4x104xi32, #tpu.memory_space<hbm>>
    %dma_start3A_7 = tpu.memref_squeeze %dma_start3A_6 : memref<1x4x104xi32, #tpu.memory_space<hbm>> -> memref<4x104xi32, #tpu.memory_space<hbm>>
    tpu.enqueue_dma source(%dma_start3A_7 : memref<4x104xi32, #tpu.memory_space<hbm>>) target(%arg7 : memref<4x104xi32, #tpu.memory_space<vmem>>) target_semaphore(%arg10 : memref<!tpu.dma_semaphore, #tpu.memory_space<semaphore_mem>>)
    %dma_wait3A = arith.constant 0 : i32
    %dma_wait3A_8 = arith.constant 0 : i32
    %dma_wait3A_9 = tpu.memref_slice %arg4[%add3A, %dma_wait3A, %dma_wait3A_8] : memref<32x4x104xi32, #tpu.memory_space<hbm>> -> memref<1x4x104xi32, #tpu.memory_space<hbm>>
    %dma_wait3A_10 = tpu.memref_squeeze %dma_wait3A_9 : memref<1x4x104xi32, #tpu.memory_space<hbm>> -> memref<4x104xi32, #tpu.memory_space<hbm>>
    %dma_wait3A_11 = arith.constant 0 : i32
    %dma_wait3A_12 = arith.constant 0 : i32
    %dma_wait3A_13 = tpu.memref_slice %arg4[%add3A, %dma_wait3A_11, %dma_wait3A_12] : memref<32x4x104xi32, #tpu.memory_space<hbm>> -> memref<1x4x104xi32, #tpu.memory_space<hbm>>
    %dma_wait3A_14 = tpu.memref_squeeze %dma_wait3A_13 : memref<1x4x104xi32, #tpu.memory_space<hbm>> -> memref<4x104xi32, #tpu.memory_space<hbm>>
    tpu.wait_dma2 semaphore(%arg10 : memref<!tpu.dma_semaphore, #tpu.memory_space<semaphore_mem>>) src(%dma_wait3A_14 : memref<4x104xi32, #tpu.memory_space<hbm>>) dst(%arg7 : memref<4x104xi32, #tpu.memory_space<vmem>>)
    %dma_start3A_15 = arith.constant 0 : i32
    %dma_start3A_16 = arith.constant 0 : i32
    %dma_start3A_17 = arith.constant 0 : i32
    %dma_start3A_18 = arith.constant 0 : i32
    %dma_start3A_19 = arith.constant 0 : i32
    %dma_start3A_20 = tpu.memref_slice %arg8[%dma_start3A_16, %dma_start3A_18, %dma_start3A_19] : memref<4x104x128xf32, #tpu.memory_space<vmem>> -> memref<1x104x128xf32, #tpu.memory_space<vmem>>
    %dma_start3A_21 = tpu.memref_squeeze %dma_start3A_20 : memref<1x104x128xf32, #tpu.memory_space<vmem>> -> memref<104x128xf32, #tpu.memory_space<vmem>>
    %dma_start3A_22 = arith.constant 0 : i32
    %dma_start3A_23 = tpu.memref_slice %arg7[%dma_start3A_15, %dma_start3A_22] : memref<4x104xi32, #tpu.memory_space<vmem>> -> memref<1x104xi32, #tpu.memory_space<vmem>>
    %dma_start3A_24 = tpu.memref_squeeze %dma_start3A_23 : memref<1x104xi32, #tpu.memory_space<vmem>> -> memref<104xi32, #tpu.memory_space<vmem>>
    %dma_start3A_25 = arith.constant 0 : i32
    %dma_start3A_26 = arith.constant 0 : i32
    %dma_start3A_27 = tpu.memref_slice %arg2[%dma_start3A_25, %dma_start3A_26] : memref<32768x128xf32, #tpu.memory_space<hbm>> -> memref<32768x128xf32, #tpu.memory_space<hbm>>
    %dma_start3A_28 = tpu.memref_slice %arg11[%dma_start3A_17] : memref<4x!tpu.dma_semaphore, #tpu.memory_space<semaphore_mem>> -> memref<1x!tpu.dma_semaphore, #tpu.memory_space<semaphore_mem>>
    %dma_start3A_29 = tpu.memref_squeeze %dma_start3A_28 : memref<1x!tpu.dma_semaphore, #tpu.memory_space<semaphore_mem>> -> memref<!tpu.dma_semaphore, #tpu.memory_space<semaphore_mem>>
    tpu.enqueue_indirect_dma source(%dma_start3A_27 : memref<32768x128xf32, #tpu.memory_space<hbm>>) target(%dma_start3A_21 : memref<104x128xf32, #tpu.memory_space<vmem>>) offsets(%dma_start3A_24 : memref<104xi32, #tpu.memory_space<vmem>>) semaphore(%dma_start3A_29 : memref<!tpu.dma_semaphore, #tpu.memory_space<semaphore_mem>>)
    %dma_start3A_30 = arith.constant 0 : i32
    %dma_start3A_31 = arith.constant 0 : i32
    %dma_start3A_32 = arith.constant 0 : i32
    %dma_start3A_33 = arith.constant 0 : i32
    %dma_start3A_34 = arith.constant 0 : i32
    %dma_start3A_35 = tpu.memref_slice %arg9[%dma_start3A_31, %dma_start3A_33, %dma_start3A_34] : memref<4x104x128xf32, #tpu.memory_space<vmem>> -> memref<1x104x128xf32, #tpu.memory_space<vmem>>
    %dma_start3A_36 = tpu.memref_squeeze %dma_start3A_35 : memref<1x104x128xf32, #tpu.memory_space<vmem>> -> memref<104x128xf32, #tpu.memory_space<vmem>>
    %dma_start3A_37 = arith.constant 0 : i32
    %dma_start3A_38 = tpu.memref_slice %arg7[%dma_start3A_30, %dma_start3A_37] : memref<4x104xi32, #tpu.memory_space<vmem>> -> memref<1x104xi32, #tpu.memory_space<vmem>>
    %dma_start3A_39 = tpu.memref_squeeze %dma_start3A_38 : memref<1x104xi32, #tpu.memory_space<vmem>> -> memref<104xi32, #tpu.memory_space<vmem>>
    %dma_start3A_40 = arith.constant 0 : i32
    %dma_start3A_41 = arith.constant 0 : i32
    %dma_start3A_42 = tpu.memref_slice %arg3[%dma_start3A_40, %dma_start3A_41] : memref<32768x128xf32, #tpu.memory_space<hbm>> -> memref<32768x128xf32, #tpu.memory_space<hbm>>
    %dma_start3A_43 = tpu.memref_slice %arg12[%dma_start3A_32] : memref<4x!tpu.dma_semaphore, #tpu.memory_space<semaphore_mem>> -> memref<1x!tpu.dma_semaphore, #tpu.memory_space<semaphore_mem>>
    %dma_start3A_44 = tpu.memref_squeeze %dma_start3A_43 : memref<1x!tpu.dma_semaphore, #tpu.memory_space<semaphore_mem>> -> memref<!tpu.dma_semaphore, #tpu.memory_space<semaphore_mem>>
    tpu.enqueue_indirect_dma source(%dma_start3A_42 : memref<32768x128xf32, #tpu.memory_space<hbm>>) target(%dma_start3A_36 : memref<104x128xf32, #tpu.memory_space<vmem>>) offsets(%dma_start3A_39 : memref<104xi32, #tpu.memory_space<vmem>>) semaphore(%dma_start3A_44 : memref<!tpu.dma_semaphore, #tpu.memory_space<semaphore_mem>>)
    %dma_start3A_45 = arith.constant 1 : i32
    %dma_start3A_46 = arith.constant 1 : i32
    %dma_start3A_47 = arith.constant 1 : i32
    %dma_start3A_48 = arith.constant 0 : i32
    %dma_start3A_49 = arith.constant 0 : i32
    %dma_start3A_50 = tpu.memref_slice %arg8[%dma_start3A_46, %dma_start3A_48, %dma_start3A_49] : memref<4x104x128xf32, #tpu.memory_space<vmem>> -> memref<1x104x128xf32, #tpu.memory_space<vmem>>
    %dma_start3A_51 = tpu.memref_squeeze %dma_start3A_50 : memref<1x104x128xf32, #tpu.memory_space<vmem>> -> memref<104x128xf32, #tpu.memory_space<vmem>>
    %dma_start3A_52 = arith.constant 0 : i32
    %dma_start3A_53 = tpu.memref_slice %arg7[%dma_start3A_45, %dma_start3A_52] : memref<4x104xi32, #tpu.memory_space<vmem>> -> memref<1x104xi32, #tpu.memory_space<vmem>>
    %dma_start3A_54 = tpu.memref_squeeze %dma_start3A_53 : memref<1x104xi32, #tpu.memory_space<vmem>> -> memref<104xi32, #tpu.memory_space<vmem>>
    %dma_start3A_55 = arith.constant 0 : i32
    %dma_start3A_56 = arith.constant 0 : i32
    %dma_start3A_57 = tpu.memref_slice %arg2[%dma_start3A_55, %dma_start3A_56] : memref<32768x128xf32, #tpu.memory_space<hbm>> -> memref<32768x128xf32, #tpu.memory_space<hbm>>
    %dma_start3A_58 = tpu.memref_slice %arg11[%dma_start3A_47] : memref<4x!tpu.dma_semaphore, #tpu.memory_space<semaphore_mem>> -> memref<1x!tpu.dma_semaphore, #tpu.memory_space<semaphore_mem>>
    %dma_start3A_59 = tpu.memref_squeeze %dma_start3A_58 : memref<1x!tpu.dma_semaphore, #tpu.memory_space<semaphore_mem>> -> memref<!tpu.dma_semaphore, #tpu.memory_space<semaphore_mem>>
    tpu.enqueue_indirect_dma source(%dma_start3A_57 : memref<32768x128xf32, #tpu.memory_space<hbm>>) target(%dma_start3A_51 : memref<104x128xf32, #tpu.memory_space<vmem>>) offsets(%dma_start3A_54 : memref<104xi32, #tpu.memory_space<vmem>>) semaphore(%dma_start3A_59 : memref<!tpu.dma_semaphore, #tpu.memory_space<semaphore_mem>>)
    %dma_start3A_60 = arith.constant 1 : i32
    %dma_start3A_61 = arith.constant 1 : i32
    %dma_start3A_62 = arith.constant 1 : i32
    %dma_start3A_63 = arith.constant 0 : i32
    %dma_start3A_64 = arith.constant 0 : i32
    %dma_start3A_65 = tpu.memref_slice %arg9[%dma_start3A_61, %dma_start3A_63, %dma_start3A_64] : memref<4x104x128xf32, #tpu.memory_space<vmem>> -> memref<1x104x128xf32, #tpu.memory_space<vmem>>
    %dma_start3A_66 = tpu.memref_squeeze %dma_start3A_65 : memref<1x104x128xf32, #tpu.memory_space<vmem>> -> memref<104x128xf32, #tpu.memory_space<vmem>>
    %dma_start3A_67 = arith.constant 0 : i32
    %dma_start3A_68 = tpu.memref_slice %arg7[%dma_start3A_60, %dma_start3A_67] : memref<4x104xi32, #tpu.memory_space<vmem>> -> memref<1x104xi32, #tpu.memory_space<vmem>>
    %dma_start3A_69 = tpu.memref_squeeze %dma_start3A_68 : memref<1x104xi32, #tpu.memory_space<vmem>> -> memref<104xi32, #tpu.memory_space<vmem>>
    %dma_start3A_70 = arith.constant 0 : i32
    %dma_start3A_71 = arith.constant 0 : i32
    %dma_start3A_72 = tpu.memref_slice %arg3[%dma_start3A_70, %dma_start3A_71] : memref<32768x128xf32, #tpu.memory_space<hbm>> -> memref<32768x128xf32, #tpu.memory_space<hbm>>
    %dma_start3A_73 = tpu.memref_slice %arg12[%dma_start3A_62] : memref<4x!tpu.dma_semaphore, #tpu.memory_space<semaphore_mem>> -> memref<1x!tpu.dma_semaphore, #tpu.memory_space<semaphore_mem>>
    %dma_start3A_74 = tpu.memref_squeeze %dma_start3A_73 : memref<1x!tpu.dma_semaphore, #tpu.memory_space<semaphore_mem>> -> memref<!tpu.dma_semaphore, #tpu.memory_space<semaphore_mem>>
    tpu.enqueue_indirect_dma source(%dma_start3A_72 : memref<32768x128xf32, #tpu.memory_space<hbm>>) target(%dma_start3A_66 : memref<104x128xf32, #tpu.memory_space<vmem>>) offsets(%dma_start3A_69 : memref<104xi32, #tpu.memory_space<vmem>>) semaphore(%dma_start3A_74 : memref<!tpu.dma_semaphore, #tpu.memory_space<semaphore_mem>>)
    %dma_start3A_75 = arith.constant 2 : i32
    %dma_start3A_76 = arith.constant 2 : i32
    %dma_start3A_77 = arith.constant 2 : i32
    %dma_start3A_78 = arith.constant 0 : i32
    %dma_start3A_79 = arith.constant 0 : i32
    %dma_start3A_80 = tpu.memref_slice %arg8[%dma_start3A_76, %dma_start3A_78, %dma_start3A_79] : memref<4x104x128xf32, #tpu.memory_space<vmem>> -> memref<1x104x128xf32, #tpu.memory_space<vmem>>
    %dma_start3A_81 = tpu.memref_squeeze %dma_start3A_80 : memref<1x104x128xf32, #tpu.memory_space<vmem>> -> memref<104x128xf32, #tpu.memory_space<vmem>>
    %dma_start3A_82 = arith.constant 0 : i32
    %dma_start3A_83 = tpu.memref_slice %arg7[%dma_start3A_75, %dma_start3A_82] : memref<4x104xi32, #tpu.memory_space<vmem>> -> memref<1x104xi32, #tpu.memory_space<vmem>>
    %dma_start3A_84 = tpu.memref_squeeze %dma_start3A_83 : memref<1x104xi32, #tpu.memory_space<vmem>> -> memref<104xi32, #tpu.memory_space<vmem>>
    %dma_start3A_85 = arith.constant 0 : i32
    %dma_start3A_86 = arith.constant 0 : i32
    %dma_start3A_87 = tpu.memref_slice %arg2[%dma_start3A_85, %dma_start3A_86] : memref<32768x128xf32, #tpu.memory_space<hbm>> -> memref<32768x128xf32, #tpu.memory_space<hbm>>
    %dma_start3A_88 = tpu.memref_slice %arg11[%dma_start3A_77] : memref<4x!tpu.dma_semaphore, #tpu.memory_space<semaphore_mem>> -> memref<1x!tpu.dma_semaphore, #tpu.memory_space<semaphore_mem>>
    %dma_start3A_89 = tpu.memref_squeeze %dma_start3A_88 : memref<1x!tpu.dma_semaphore, #tpu.memory_space<semaphore_mem>> -> memref<!tpu.dma_semaphore, #tpu.memory_space<semaphore_mem>>
    tpu.enqueue_indirect_dma source(%dma_start3A_87 : memref<32768x128xf32, #tpu.memory_space<hbm>>) target(%dma_start3A_81 : memref<104x128xf32, #tpu.memory_space<vmem>>) offsets(%dma_start3A_84 : memref<104xi32, #tpu.memory_space<vmem>>) semaphore(%dma_start3A_89 : memref<!tpu.dma_semaphore, #tpu.memory_space<semaphore_mem>>)
    %dma_start3A_90 = arith.constant 2 : i32
    %dma_start3A_91 = arith.constant 2 : i32
    %dma_start3A_92 = arith.constant 2 : i32
    %dma_start3A_93 = arith.constant 0 : i32
    %dma_start3A_94 = arith.constant 0 : i32
    %dma_start3A_95 = tpu.memref_slice %arg9[%dma_start3A_91, %dma_start3A_93, %dma_start3A_94] : memref<4x104x128xf32, #tpu.memory_space<vmem>> -> memref<1x104x128xf32, #tpu.memory_space<vmem>>
    %dma_start3A_96 = tpu.memref_squeeze %dma_start3A_95 : memref<1x104x128xf32, #tpu.memory_space<vmem>> -> memref<104x128xf32, #tpu.memory_space<vmem>>
    %dma_start3A_97 = arith.constant 0 : i32
    %dma_start3A_98 = tpu.memref_slice %arg7[%dma_start3A_90, %dma_start3A_97] : memref<4x104xi32, #tpu.memory_space<vmem>> -> memref<1x104xi32, #tpu.memory_space<vmem>>
    %dma_start3A_99 = tpu.memref_squeeze %dma_start3A_98 : memref<1x104xi32, #tpu.memory_space<vmem>> -> memref<104xi32, #tpu.memory_space<vmem>>
    %dma_start3A_100 = arith.constant 0 : i32
    %dma_start3A_101 = arith.constant 0 : i32
    %dma_start3A_102 = tpu.memref_slice %arg3[%dma_start3A_100, %dma_start3A_101] : memref<32768x128xf32, #tpu.memory_space<hbm>> -> memref<32768x128xf32, #tpu.memory_space<hbm>>
    %dma_start3A_103 = tpu.memref_slice %arg12[%dma_start3A_92] : memref<4x!tpu.dma_semaphore, #tpu.memory_space<semaphore_mem>> -> memref<1x!tpu.dma_semaphore, #tpu.memory_space<semaphore_mem>>
    %dma_start3A_104 = tpu.memref_squeeze %dma_start3A_103 : memref<1x!tpu.dma_semaphore, #tpu.memory_space<semaphore_mem>> -> memref<!tpu.dma_semaphore, #tpu.memory_space<semaphore_mem>>
    tpu.enqueue_indirect_dma source(%dma_start3A_102 : memref<32768x128xf32, #tpu.memory_space<hbm>>) target(%dma_start3A_96 : memref<104x128xf32, #tpu.memory_space<vmem>>) offsets(%dma_start3A_99 : memref<104xi32, #tpu.memory_space<vmem>>) semaphore(%dma_start3A_104 : memref<!tpu.dma_semaphore, #tpu.memory_space<semaphore_mem>>)
    %dma_start3A_105 = arith.constant 3 : i32
    %dma_start3A_106 = arith.constant 3 : i32
    %dma_start3A_107 = arith.constant 3 : i32
    %dma_start3A_108 = arith.constant 0 : i32
    %dma_start3A_109 = arith.constant 0 : i32
    %dma_start3A_110 = tpu.memref_slice %arg8[%dma_start3A_106, %dma_start3A_108, %dma_start3A_109] : memref<4x104x128xf32, #tpu.memory_space<vmem>> -> memref<1x104x128xf32, #tpu.memory_space<vmem>>
    %dma_start3A_111 = tpu.memref_squeeze %dma_start3A_110 : memref<1x104x128xf32, #tpu.memory_space<vmem>> -> memref<104x128xf32, #tpu.memory_space<vmem>>
    %dma_start3A_112 = arith.constant 0 : i32
    %dma_start3A_113 = tpu.memref_slice %arg7[%dma_start3A_105, %dma_start3A_112] : memref<4x104xi32, #tpu.memory_space<vmem>> -> memref<1x104xi32, #tpu.memory_space<vmem>>
    %dma_start3A_114 = tpu.memref_squeeze %dma_start3A_113 : memref<1x104xi32, #tpu.memory_space<vmem>> -> memref<104xi32, #tpu.memory_space<vmem>>
    %dma_start3A_115 = arith.constant 0 : i32
    %dma_start3A_116 = arith.constant 0 : i32
    %dma_start3A_117 = tpu.memref_slice %arg2[%dma_start3A_115, %dma_start3A_116] : memref<32768x128xf32, #tpu.memory_space<hbm>> -> memref<32768x128xf32, #tpu.memory_space<hbm>>
    %dma_start3A_118 = tpu.memref_slice %arg11[%dma_start3A_107] : memref<4x!tpu.dma_semaphore, #tpu.memory_space<semaphore_mem>> -> memref<1x!tpu.dma_semaphore, #tpu.memory_space<semaphore_mem>>
    %dma_start3A_119 = tpu.memref_squeeze %dma_start3A_118 : memref<1x!tpu.dma_semaphore, #tpu.memory_space<semaphore_mem>> -> memref<!tpu.dma_semaphore, #tpu.memory_space<semaphore_mem>>
    tpu.enqueue_indirect_dma source(%dma_start3A_117 : memref<32768x128xf32, #tpu.memory_space<hbm>>) target(%dma_start3A_111 : memref<104x128xf32, #tpu.memory_space<vmem>>) offsets(%dma_start3A_114 : memref<104xi32, #tpu.memory_space<vmem>>) semaphore(%dma_start3A_119 : memref<!tpu.dma_semaphore, #tpu.memory_space<semaphore_mem>>)
    %dma_start3A_120 = arith.constant 3 : i32
    %dma_start3A_121 = arith.constant 3 : i32
    %dma_start3A_122 = arith.constant 3 : i32
    %dma_start3A_123 = arith.constant 0 : i32
    %dma_start3A_124 = arith.constant 0 : i32
    %dma_start3A_125 = tpu.memref_slice %arg9[%dma_start3A_121, %dma_start3A_123, %dma_start3A_124] : memref<4x104x128xf32, #tpu.memory_space<vmem>> -> memref<1x104x128xf32, #tpu.memory_space<vmem>>
    %dma_start3A_126 = tpu.memref_squeeze %dma_start3A_125 : memref<1x104x128xf32, #tpu.memory_space<vmem>> -> memref<104x128xf32, #tpu.memory_space<vmem>>
    %dma_start3A_127 = arith.constant 0 : i32
    %dma_start3A_128 = tpu.memref_slice %arg7[%dma_start3A_120, %dma_start3A_127] : memref<4x104xi32, #tpu.memory_space<vmem>> -> memref<1x104xi32, #tpu.memory_space<vmem>>
    %dma_start3A_129 = tpu.memref_squeeze %dma_start3A_128 : memref<1x104xi32, #tpu.memory_space<vmem>> -> memref<104xi32, #tpu.memory_space<vmem>>
    %dma_start3A_130 = arith.constant 0 : i32
    %dma_start3A_131 = arith.constant 0 : i32
    %dma_start3A_132 = tpu.memref_slice %arg3[%dma_start3A_130, %dma_start3A_131] : memref<32768x128xf32, #tpu.memory_space<hbm>> -> memref<32768x128xf32, #tpu.memory_space<hbm>>
    %dma_start3A_133 = tpu.memref_slice %arg12[%dma_start3A_122] : memref<4x!tpu.dma_semaphore, #tpu.memory_space<semaphore_mem>> -> memref<1x!tpu.dma_semaphore, #tpu.memory_space<semaphore_mem>>
    %dma_start3A_134 = tpu.memref_squeeze %dma_start3A_133 : memref<1x!tpu.dma_semaphore, #tpu.memory_space<semaphore_mem>> -> memref<!tpu.dma_semaphore, #tpu.memory_space<semaphore_mem>>
    tpu.enqueue_indirect_dma source(%dma_start3A_132 : memref<32768x128xf32, #tpu.memory_space<hbm>>) target(%dma_start3A_126 : memref<104x128xf32, #tpu.memory_space<vmem>>) offsets(%dma_start3A_129 : memref<104xi32, #tpu.memory_space<vmem>>) semaphore(%dma_start3A_134 : memref<!tpu.dma_semaphore, #tpu.memory_space<semaphore_mem>>)
    %dma_wait3A_135 = arith.constant 0 : i32
    %dma_wait3A_136 = arith.constant 0 : i32
    %dma_wait3A_137 = arith.constant 0 : i32
    %dma_wait3A_138 = arith.constant 0 : i32
    %dma_wait3A_139 = arith.constant 0 : i32
    %dma_wait3A_140 = tpu.memref_slice %arg8[%dma_wait3A_136, %dma_wait3A_138, %dma_wait3A_139] : memref<4x104x128xf32, #tpu.memory_space<vmem>> -> memref<1x104x128xf32, #tpu.memory_space<vmem>>
    %dma_wait3A_141 = tpu.memref_squeeze %dma_wait3A_140 : memref<1x104x128xf32, #tpu.memory_space<vmem>> -> memref<104x128xf32, #tpu.memory_space<vmem>>
    %dma_wait3A_142 = arith.constant 0 : i32
    %dma_wait3A_143 = tpu.memref_slice %arg7[%dma_wait3A_135, %dma_wait3A_142] : memref<4x104xi32, #tpu.memory_space<vmem>> -> memref<1x104xi32, #tpu.memory_space<vmem>>
    %dma_wait3A_144 = tpu.memref_squeeze %dma_wait3A_143 : memref<1x104xi32, #tpu.memory_space<vmem>> -> memref<104xi32, #tpu.memory_space<vmem>>
    %dma_wait3A_145 = arith.constant 0 : i32
    %dma_wait3A_146 = arith.constant 0 : i32
    %dma_wait3A_147 = tpu.memref_slice %arg2[%dma_wait3A_145, %dma_wait3A_146] : memref<32768x128xf32, #tpu.memory_space<hbm>> -> memref<32768x128xf32, #tpu.memory_space<hbm>>
    %dma_wait3A_148 = tpu.memref_slice %arg11[%dma_wait3A_137] : memref<4x!tpu.dma_semaphore, #tpu.memory_space<semaphore_mem>> -> memref<1x!tpu.dma_semaphore, #tpu.memory_space<semaphore_mem>>
    %dma_wait3A_149 = tpu.memref_squeeze %dma_wait3A_148 : memref<1x!tpu.dma_semaphore, #tpu.memory_space<semaphore_mem>> -> memref<!tpu.dma_semaphore, #tpu.memory_space<semaphore_mem>>
    tpu.wait_indirect_dma semaphore(%dma_wait3A_149 : memref<!tpu.dma_semaphore, #tpu.memory_space<semaphore_mem>>) src(%dma_wait3A_147 : memref<32768x128xf32, #tpu.memory_space<hbm>>) dst(%dma_wait3A_141 : memref<104x128xf32, #tpu.memory_space<vmem>>)
    %dma_wait3A_150 = arith.constant 0 : i32
    %dma_wait3A_151 = arith.constant 0 : i32
    %dma_wait3A_152 = arith.constant 0 : i32
    %dma_wait3A_153 = arith.constant 0 : i32
    %dma_wait3A_154 = arith.constant 0 : i32
    %dma_wait3A_155 = tpu.memref_slice %arg9[%dma_wait3A_151, %dma_wait3A_153, %dma_wait3A_154] : memref<4x104x128xf32, #tpu.memory_space<vmem>> -> memref<1x104x128xf32, #tpu.memory_space<vmem>>
    %dma_wait3A_156 = tpu.memref_squeeze %dma_wait3A_155 : memref<1x104x128xf32, #tpu.memory_space<vmem>> -> memref<104x128xf32, #tpu.memory_space<vmem>>
    %dma_wait3A_157 = arith.constant 0 : i32
    %dma_wait3A_158 = tpu.memref_slice %arg7[%dma_wait3A_150, %dma_wait3A_157] : memref<4x104xi32, #tpu.memory_space<vmem>> -> memref<1x104xi32, #tpu.memory_space<vmem>>
    %dma_wait3A_159 = tpu.memref_squeeze %dma_wait3A_158 : memref<1x104xi32, #tpu.memory_space<vmem>> -> memref<104xi32, #tpu.memory_space<vmem>>
    %dma_wait3A_160 = arith.constant 0 : i32
    %dma_wait3A_161 = arith.constant 0 : i32
    %dma_wait3A_162 = tpu.memref_slice %arg3[%dma_wait3A_160, %dma_wait3A_161] : memref<32768x128xf32, #tpu.memory_space<hbm>> -> memref<32768x128xf32, #tpu.memory_space<hbm>>
    %dma_wait3A_163 = tpu.memref_slice %arg12[%dma_wait3A_152] : memref<4x!tpu.dma_semaphore, #tpu.memory_space<semaphore_mem>> -> memref<1x!tpu.dma_semaphore, #tpu.memory_space<semaphore_mem>>
    %dma_wait3A_164 = tpu.memref_squeeze %dma_wait3A_163 : memref<1x!tpu.dma_semaphore, #tpu.memory_space<semaphore_mem>> -> memref<!tpu.dma_semaphore, #tpu.memory_space<semaphore_mem>>
    tpu.wait_indirect_dma semaphore(%dma_wait3A_164 : memref<!tpu.dma_semaphore, #tpu.memory_space<semaphore_mem>>) src(%dma_wait3A_162 : memref<32768x128xf32, #tpu.memory_space<hbm>>) dst(%dma_wait3A_156 : memref<104x128xf32, #tpu.memory_space<vmem>>)
    %mul3A_165 = arith.constant 4 : i32
    %mul3A_166 = arith.muli %add3A, %mul3A_165 : i32
    %add3A_167 = arith.constant 0 : i32
    %add3A_168 = arith.addi %mul3A_166, %add3A_167 : i32
    %mul3A_169 = arith.constant 104 : i32
    %mul3A_170 = arith.muli %add3A_168, %mul3A_169 : i32
    %dma_start3A_171 = arith.constant 0 : i32
    %dma_start3A_172 = arith.constant 0 : i32
    %dma_start3A_173 = arith.constant 0 : i32
    %dma_start3A_174 = tpu.memref_slice %arg8[%dma_start3A_171, %dma_start3A_172, %dma_start3A_173] : memref<4x104x128xf32, #tpu.memory_space<vmem>> -> memref<1x104x128xf32, #tpu.memory_space<vmem>>
    %dma_start3A_175 = tpu.memref_squeeze %dma_start3A_174 : memref<1x104x128xf32, #tpu.memory_space<vmem>> -> memref<104x128xf32, #tpu.memory_space<vmem>>
    %dma_start3A_176 = arith.constant 0 : i32
    %dma_start3A_177 = tpu.memref_slice %arg5[%mul3A_170, %dma_start3A_176] : memref<13312x128xf32, #tpu.memory_space<hbm>> -> memref<104x128xf32, #tpu.memory_space<hbm>>
    %dma_start3A_178 = arith.constant 0 : i32
    %dma_start3A_179 = tpu.memref_slice %arg5[%mul3A_170, %dma_start3A_178] : memref<13312x128xf32, #tpu.memory_space<hbm>> -> memref<104x128xf32, #tpu.memory_space<hbm>>
    %dma_start3A_180 = arith.constant 0 : i32
    %dma_start3A_181 = arith.constant 0 : i32
    %dma_start3A_182 = tpu.memref_slice %arg8[%dma_start3A_171, %dma_start3A_180, %dma_start3A_181] : memref<4x104x128xf32, #tpu.memory_space<vmem>> -> memref<1x104x128xf32, #tpu.memory_space<vmem>>
    %dma_start3A_183 = tpu.memref_squeeze %dma_start3A_182 : memref<1x104x128xf32, #tpu.memory_space<vmem>> -> memref<104x128xf32, #tpu.memory_space<vmem>>
    tpu.enqueue_dma source(%dma_start3A_183 : memref<104x128xf32, #tpu.memory_space<vmem>>) target(%dma_start3A_179 : memref<104x128xf32, #tpu.memory_space<hbm>>) target_semaphore(%arg13 : memref<!tpu.dma_semaphore, #tpu.memory_space<semaphore_mem>>)
    %dma_start3A_184 = arith.constant 0 : i32
    %dma_start3A_185 = arith.constant 0 : i32
    %dma_start3A_186 = arith.constant 0 : i32
    %dma_start3A_187 = tpu.memref_slice %arg9[%dma_start3A_184, %dma_start3A_185, %dma_start3A_186] : memref<4x104x128xf32, #tpu.memory_space<vmem>> -> memref<1x104x128xf32, #tpu.memory_space<vmem>>
    %dma_start3A_188 = tpu.memref_squeeze %dma_start3A_187 : memref<1x104x128xf32, #tpu.memory_space<vmem>> -> memref<104x128xf32, #tpu.memory_space<vmem>>
    %dma_start3A_189 = arith.constant 0 : i32
    %dma_start3A_190 = tpu.memref_slice %arg6[%mul3A_170, %dma_start3A_189] : memref<13312x128xf32, #tpu.memory_space<hbm>> -> memref<104x128xf32, #tpu.memory_space<hbm>>
    %dma_start3A_191 = arith.constant 0 : i32
    %dma_start3A_192 = tpu.memref_slice %arg6[%mul3A_170, %dma_start3A_191] : memref<13312x128xf32, #tpu.memory_space<hbm>> -> memref<104x128xf32, #tpu.memory_space<hbm>>
    %dma_start3A_193 = arith.constant 0 : i32
    %dma_start3A_194 = arith.constant 0 : i32
    %dma_start3A_195 = tpu.memref_slice %arg9[%dma_start3A_184, %dma_start3A_193, %dma_start3A_194] : memref<4x104x128xf32, #tpu.memory_space<vmem>> -> memref<1x104x128xf32, #tpu.memory_space<vmem>>
    %dma_start3A_196 = tpu.memref_squeeze %dma_start3A_195 : memref<1x104x128xf32, #tpu.memory_space<vmem>> -> memref<104x128xf32, #tpu.memory_space<vmem>>
    tpu.enqueue_dma source(%dma_start3A_196 : memref<104x128xf32, #tpu.memory_space<vmem>>) target(%dma_start3A_192 : memref<104x128xf32, #tpu.memory_space<hbm>>) target_semaphore(%arg13 : memref<!tpu.dma_semaphore, #tpu.memory_space<semaphore_mem>>)
    %dma_wait3A_197 = arith.constant 1 : i32
    %dma_wait3A_198 = arith.constant 1 : i32
    %dma_wait3A_199 = arith.constant 1 : i32
    %dma_wait3A_200 = arith.constant 0 : i32
    %dma_wait3A_201 = arith.constant 0 : i32
    %dma_wait3A_202 = tpu.memref_slice %arg8[%dma_wait3A_198, %dma_wait3A_200, %dma_wait3A_201] : memref<4x104x128xf32, #tpu.memory_space<vmem>> -> memref<1x104x128xf32, #tpu.memory_space<vmem>>
    %dma_wait3A_203 = tpu.memref_squeeze %dma_wait3A_202 : memref<1x104x128xf32, #tpu.memory_space<vmem>> -> memref<104x128xf32, #tpu.memory_space<vmem>>
    %dma_wait3A_204 = arith.constant 0 : i32
    %dma_wait3A_205 = tpu.memref_slice %arg7[%dma_wait3A_197, %dma_wait3A_204] : memref<4x104xi32, #tpu.memory_space<vmem>> -> memref<1x104xi32, #tpu.memory_space<vmem>>
    %dma_wait3A_206 = tpu.memref_squeeze %dma_wait3A_205 : memref<1x104xi32, #tpu.memory_space<vmem>> -> memref<104xi32, #tpu.memory_space<vmem>>
    %dma_wait3A_207 = arith.constant 0 : i32
    %dma_wait3A_208 = arith.constant 0 : i32
    %dma_wait3A_209 = tpu.memref_slice %arg2[%dma_wait3A_207, %dma_wait3A_208] : memref<32768x128xf32, #tpu.memory_space<hbm>> -> memref<32768x128xf32, #tpu.memory_space<hbm>>
    %dma_wait3A_210 = tpu.memref_slice %arg11[%dma_wait3A_199] : memref<4x!tpu.dma_semaphore, #tpu.memory_space<semaphore_mem>> -> memref<1x!tpu.dma_semaphore, #tpu.memory_space<semaphore_mem>>
    %dma_wait3A_211 = tpu.memref_squeeze %dma_wait3A_210 : memref<1x!tpu.dma_semaphore, #tpu.memory_space<semaphore_mem>> -> memref<!tpu.dma_semaphore, #tpu.memory_space<semaphore_mem>>
    tpu.wait_indirect_dma semaphore(%dma_wait3A_211 : memref<!tpu.dma_semaphore, #tpu.memory_space<semaphore_mem>>) src(%dma_wait3A_209 : memref<32768x128xf32, #tpu.memory_space<hbm>>) dst(%dma_wait3A_203 : memref<104x128xf32, #tpu.memory_space<vmem>>)
    %dma_wait3A_212 = arith.constant 1 : i32
    %dma_wait3A_213 = arith.constant 1 : i32
    %dma_wait3A_214 = arith.constant 1 : i32
    %dma_wait3A_215 = arith.constant 0 : i32
    %dma_wait3A_216 = arith.constant 0 : i32
    %dma_wait3A_217 = tpu.memref_slice %arg9[%dma_wait3A_213, %dma_wait3A_215, %dma_wait3A_216] : memref<4x104x128xf32, #tpu.memory_space<vmem>> -> memref<1x104x128xf32, #tpu.memory_space<vmem>>
    %dma_wait3A_218 = tpu.memref_squeeze %dma_wait3A_217 : memref<1x104x128xf32, #tpu.memory_space<vmem>> -> memref<104x128xf32, #tpu.memory_space<vmem>>
    %dma_wait3A_219 = arith.constant 0 : i32
    %dma_wait3A_220 = tpu.memref_slice %arg7[%dma_wait3A_212, %dma_wait3A_219] : memref<4x104xi32, #tpu.memory_space<vmem>> -> memref<1x104xi32, #tpu.memory_space<vmem>>
    %dma_wait3A_221 = tpu.memref_squeeze %dma_wait3A_220 : memref<1x104xi32, #tpu.memory_space<vmem>> -> memref<104xi32, #tpu.memory_space<vmem>>
    %dma_wait3A_222 = arith.constant 0 : i32
    %dma_wait3A_223 = arith.constant 0 : i32
    %dma_wait3A_224 = tpu.memref_slice %arg3[%dma_wait3A_222, %dma_wait3A_223] : memref<32768x128xf32, #tpu.memory_space<hbm>> -> memref<32768x128xf32, #tpu.memory_space<hbm>>
    %dma_wait3A_225 = tpu.memref_slice %arg12[%dma_wait3A_214] : memref<4x!tpu.dma_semaphore, #tpu.memory_space<semaphore_mem>> -> memref<1x!tpu.dma_semaphore, #tpu.memory_space<semaphore_mem>>
    %dma_wait3A_226 = tpu.memref_squeeze %dma_wait3A_225 : memref<1x!tpu.dma_semaphore, #tpu.memory_space<semaphore_mem>> -> memref<!tpu.dma_semaphore, #tpu.memory_space<semaphore_mem>>
    tpu.wait_indirect_dma semaphore(%dma_wait3A_226 : memref<!tpu.dma_semaphore, #tpu.memory_space<semaphore_mem>>) src(%dma_wait3A_224 : memref<32768x128xf32, #tpu.memory_space<hbm>>) dst(%dma_wait3A_218 : memref<104x128xf32, #tpu.memory_space<vmem>>)
    %mul3A_227 = arith.constant 4 : i32
    %mul3A_228 = arith.muli %add3A, %mul3A_227 : i32
    %add3A_229 = arith.constant 1 : i32
    %add3A_230 = arith.addi %mul3A_228, %add3A_229 : i32
    %mul3A_231 = arith.constant 104 : i32
    %mul3A_232 = arith.muli %add3A_230, %mul3A_231 : i32
    %dma_start3A_233 = arith.constant 1 : i32
    %dma_start3A_234 = arith.constant 0 : i32
    %dma_start3A_235 = arith.constant 0 : i32
    %dma_start3A_236 = tpu.memref_slice %arg8[%dma_start3A_233, %dma_start3A_234, %dma_start3A_235] : memref<4x104x128xf32, #tpu.memory_space<vmem>> -> memref<1x104x128xf32, #tpu.memory_space<vmem>>
    %dma_start3A_237 = tpu.memref_squeeze %dma_start3A_236 : memref<1x104x128xf32, #tpu.memory_space<vmem>> -> memref<104x128xf32, #tpu.memory_space<vmem>>
    %dma_start3A_238 = arith.constant 0 : i32
    %dma_start3A_239 = tpu.memref_slice %arg5[%mul3A_232, %dma_start3A_238] : memref<13312x128xf32, #tpu.memory_space<hbm>> -> memref<104x128xf32, #tpu.memory_space<hbm>>
    %dma_start3A_240 = arith.constant 0 : i32
    %dma_start3A_241 = tpu.memref_slice %arg5[%mul3A_232, %dma_start3A_240] : memref<13312x128xf32, #tpu.memory_space<hbm>> -> memref<104x128xf32, #tpu.memory_space<hbm>>
    %dma_start3A_242 = arith.constant 0 : i32
    %dma_start3A_243 = arith.constant 0 : i32
    %dma_start3A_244 = tpu.memref_slice %arg8[%dma_start3A_233, %dma_start3A_242, %dma_start3A_243] : memref<4x104x128xf32, #tpu.memory_space<vmem>> -> memref<1x104x128xf32, #tpu.memory_space<vmem>>
    %dma_start3A_245 = tpu.memref_squeeze %dma_start3A_244 : memref<1x104x128xf32, #tpu.memory_space<vmem>> -> memref<104x128xf32, #tpu.memory_space<vmem>>
    tpu.enqueue_dma source(%dma_start3A_245 : memref<104x128xf32, #tpu.memory_space<vmem>>) target(%dma_start3A_241 : memref<104x128xf32, #tpu.memory_space<hbm>>) target_semaphore(%arg13 : memref<!tpu.dma_semaphore, #tpu.memory_space<semaphore_mem>>)
    %dma_start3A_246 = arith.constant 1 : i32
    %dma_start3A_247 = arith.constant 0 : i32
    %dma_start3A_248 = arith.constant 0 : i32
    %dma_start3A_249 = tpu.memref_slice %arg9[%dma_start3A_246, %dma_start3A_247, %dma_start3A_248] : memref<4x104x128xf32, #tpu.memory_space<vmem>> -> memref<1x104x128xf32, #tpu.memory_space<vmem>>
    %dma_start3A_250 = tpu.memref_squeeze %dma_start3A_249 : memref<1x104x128xf32, #tpu.memory_space<vmem>> -> memref<104x128xf32, #tpu.memory_space<vmem>>
    %dma_start3A_251 = arith.constant 0 : i32
    %dma_start3A_252 = tpu.memref_slice %arg6[%mul3A_232, %dma_start3A_251] : memref<13312x128xf32, #tpu.memory_space<hbm>> -> memref<104x128xf32, #tpu.memory_space<hbm>>
    %dma_start3A_253 = arith.constant 0 : i32
    %dma_start3A_254 = tpu.memref_slice %arg6[%mul3A_232, %dma_start3A_253] : memref<13312x128xf32, #tpu.memory_space<hbm>> -> memref<104x128xf32, #tpu.memory_space<hbm>>
    %dma_start3A_255 = arith.constant 0 : i32
    %dma_start3A_256 = arith.constant 0 : i32
    %dma_start3A_257 = tpu.memref_slice %arg9[%dma_start3A_246, %dma_start3A_255, %dma_start3A_256] : memref<4x104x128xf32, #tpu.memory_space<vmem>> -> memref<1x104x128xf32, #tpu.memory_space<vmem>>
    %dma_start3A_258 = tpu.memref_squeeze %dma_start3A_257 : memref<1x104x128xf32, #tpu.memory_space<vmem>> -> memref<104x128xf32, #tpu.memory_space<vmem>>
    tpu.enqueue_dma source(%dma_start3A_258 : memref<104x128xf32, #tpu.memory_space<vmem>>) target(%dma_start3A_254 : memref<104x128xf32, #tpu.memory_space<hbm>>) target_semaphore(%arg13 : memref<!tpu.dma_semaphore, #tpu.memory_space<semaphore_mem>>)
    %dma_wait3A_259 = arith.constant 2 : i32
    %dma_wait3A_260 = arith.constant 2 : i32
    %dma_wait3A_261 = arith.constant 2 : i32
    %dma_wait3A_262 = arith.constant 0 : i32
    %dma_wait3A_263 = arith.constant 0 : i32
    %dma_wait3A_264 = tpu.memref_slice %arg8[%dma_wait3A_260, %dma_wait3A_262, %dma_wait3A_263] : memref<4x104x128xf32, #tpu.memory_space<vmem>> -> memref<1x104x128xf32, #tpu.memory_space<vmem>>
    %dma_wait3A_265 = tpu.memref_squeeze %dma_wait3A_264 : memref<1x104x128xf32, #tpu.memory_space<vmem>> -> memref<104x128xf32, #tpu.memory_space<vmem>>
    %dma_wait3A_266 = arith.constant 0 : i32
    %dma_wait3A_267 = tpu.memref_slice %arg7[%dma_wait3A_259, %dma_wait3A_266] : memref<4x104xi32, #tpu.memory_space<vmem>> -> memref<1x104xi32, #tpu.memory_space<vmem>>
    %dma_wait3A_268 = tpu.memref_squeeze %dma_wait3A_267 : memref<1x104xi32, #tpu.memory_space<vmem>> -> memref<104xi32, #tpu.memory_space<vmem>>
    %dma_wait3A_269 = arith.constant 0 : i32
    %dma_wait3A_270 = arith.constant 0 : i32
    %dma_wait3A_271 = tpu.memref_slice %arg2[%dma_wait3A_269, %dma_wait3A_270] : memref<32768x128xf32, #tpu.memory_space<hbm>> -> memref<32768x128xf32, #tpu.memory_space<hbm>>
    %dma_wait3A_272 = tpu.memref_slice %arg11[%dma_wait3A_261] : memref<4x!tpu.dma_semaphore, #tpu.memory_space<semaphore_mem>> -> memref<1x!tpu.dma_semaphore, #tpu.memory_space<semaphore_mem>>
    %dma_wait3A_273 = tpu.memref_squeeze %dma_wait3A_272 : memref<1x!tpu.dma_semaphore, #tpu.memory_space<semaphore_mem>> -> memref<!tpu.dma_semaphore, #tpu.memory_space<semaphore_mem>>
    tpu.wait_indirect_dma semaphore(%dma_wait3A_273 : memref<!tpu.dma_semaphore, #tpu.memory_space<semaphore_mem>>) src(%dma_wait3A_271 : memref<32768x128xf32, #tpu.memory_space<hbm>>) dst(%dma_wait3A_265 : memref<104x128xf32, #tpu.memory_space<vmem>>)
    %dma_wait3A_274 = arith.constant 2 : i32
    %dma_wait3A_275 = arith.constant 2 : i32
    %dma_wait3A_276 = arith.constant 2 : i32
    %dma_wait3A_277 = arith.constant 0 : i32
    %dma_wait3A_278 = arith.constant 0 : i32
    %dma_wait3A_279 = tpu.memref_slice %arg9[%dma_wait3A_275, %dma_wait3A_277, %dma_wait3A_278] : memref<4x104x128xf32, #tpu.memory_space<vmem>> -> memref<1x104x128xf32, #tpu.memory_space<vmem>>
    %dma_wait3A_280 = tpu.memref_squeeze %dma_wait3A_279 : memref<1x104x128xf32, #tpu.memory_space<vmem>> -> memref<104x128xf32, #tpu.memory_space<vmem>>
    %dma_wait3A_281 = arith.constant 0 : i32
    %dma_wait3A_282 = tpu.memref_slice %arg7[%dma_wait3A_274, %dma_wait3A_281] : memref<4x104xi32, #tpu.memory_space<vmem>> -> memref<1x104xi32, #tpu.memory_space<vmem>>
    %dma_wait3A_283 = tpu.memref_squeeze %dma_wait3A_282 : memref<1x104xi32, #tpu.memory_space<vmem>> -> memref<104xi32, #tpu.memory_space<vmem>>
    %dma_wait3A_284 = arith.constant 0 : i32
    %dma_wait3A_285 = arith.constant 0 : i32
    %dma_wait3A_286 = tpu.memref_slice %arg3[%dma_wait3A_284, %dma_wait3A_285] : memref<32768x128xf32, #tpu.memory_space<hbm>> -> memref<32768x128xf32, #tpu.memory_space<hbm>>
    %dma_wait3A_287 = tpu.memref_slice %arg12[%dma_wait3A_276] : memref<4x!tpu.dma_semaphore, #tpu.memory_space<semaphore_mem>> -> memref<1x!tpu.dma_semaphore, #tpu.memory_space<semaphore_mem>>
    %dma_wait3A_288 = tpu.memref_squeeze %dma_wait3A_287 : memref<1x!tpu.dma_semaphore, #tpu.memory_space<semaphore_mem>> -> memref<!tpu.dma_semaphore, #tpu.memory_space<semaphore_mem>>
    tpu.wait_indirect_dma semaphore(%dma_wait3A_288 : memref<!tpu.dma_semaphore, #tpu.memory_space<semaphore_mem>>) src(%dma_wait3A_286 : memref<32768x128xf32, #tpu.memory_space<hbm>>) dst(%dma_wait3A_280 : memref<104x128xf32, #tpu.memory_space<vmem>>)
    %mul3A_289 = arith.constant 4 : i32
    %mul3A_290 = arith.muli %add3A, %mul3A_289 : i32
    %add3A_291 = arith.constant 2 : i32
    %add3A_292 = arith.addi %mul3A_290, %add3A_291 : i32
    %mul3A_293 = arith.constant 104 : i32
    %mul3A_294 = arith.muli %add3A_292, %mul3A_293 : i32
    %dma_start3A_295 = arith.constant 2 : i32
    %dma_start3A_296 = arith.constant 0 : i32
    %dma_start3A_297 = arith.constant 0 : i32
    %dma_start3A_298 = tpu.memref_slice %arg8[%dma_start3A_295, %dma_start3A_296, %dma_start3A_297] : memref<4x104x128xf32, #tpu.memory_space<vmem>> -> memref<1x104x128xf32, #tpu.memory_space<vmem>>
    %dma_start3A_299 = tpu.memref_squeeze %dma_start3A_298 : memref<1x104x128xf32, #tpu.memory_space<vmem>> -> memref<104x128xf32, #tpu.memory_space<vmem>>
    %dma_start3A_300 = arith.constant 0 : i32
    %dma_start3A_301 = tpu.memref_slice %arg5[%mul3A_294, %dma_start3A_300] : memref<13312x128xf32, #tpu.memory_space<hbm>> -> memref<104x128xf32, #tpu.memory_space<hbm>>
    %dma_start3A_302 = arith.constant 0 : i32
    %dma_start3A_303 = tpu.memref_slice %arg5[%mul3A_294, %dma_start3A_302] : memref<13312x128xf32, #tpu.memory_space<hbm>> -> memref<104x128xf32, #tpu.memory_space<hbm>>
    %dma_start3A_304 = arith.constant 0 : i32
    %dma_start3A_305 = arith.constant 0 : i32
    %dma_start3A_306 = tpu.memref_slice %arg8[%dma_start3A_295, %dma_start3A_304, %dma_start3A_305] : memref<4x104x128xf32, #tpu.memory_space<vmem>> -> memref<1x104x128xf32, #tpu.memory_space<vmem>>
    %dma_start3A_307 = tpu.memref_squeeze %dma_start3A_306 : memref<1x104x128xf32, #tpu.memory_space<vmem>> -> memref<104x128xf32, #tpu.memory_space<vmem>>
    tpu.enqueue_dma source(%dma_start3A_307 : memref<104x128xf32, #tpu.memory_space<vmem>>) target(%dma_start3A_303 : memref<104x128xf32, #tpu.memory_space<hbm>>) target_semaphore(%arg13 : memref<!tpu.dma_semaphore, #tpu.memory_space<semaphore_mem>>)
    %dma_start3A_308 = arith.constant 2 : i32
    %dma_start3A_309 = arith.constant 0 : i32
    %dma_start3A_310 = arith.constant 0 : i32
    %dma_start3A_311 = tpu.memref_slice %arg9[%dma_start3A_308, %dma_start3A_309, %dma_start3A_310] : memref<4x104x128xf32, #tpu.memory_space<vmem>> -> memref<1x104x128xf32, #tpu.memory_space<vmem>>
    %dma_start3A_312 = tpu.memref_squeeze %dma_start3A_311 : memref<1x104x128xf32, #tpu.memory_space<vmem>> -> memref<104x128xf32, #tpu.memory_space<vmem>>
    %dma_start3A_313 = arith.constant 0 : i32
    %dma_start3A_314 = tpu.memref_slice %arg6[%mul3A_294, %dma_start3A_313] : memref<13312x128xf32, #tpu.memory_space<hbm>> -> memref<104x128xf32, #tpu.memory_space<hbm>>
    %dma_start3A_315 = arith.constant 0 : i32
    %dma_start3A_316 = tpu.memref_slice %arg6[%mul3A_294, %dma_start3A_315] : memref<13312x128xf32, #tpu.memory_space<hbm>> -> memref<104x128xf32, #tpu.memory_space<hbm>>
    %dma_start3A_317 = arith.constant 0 : i32
    %dma_start3A_318 = arith.constant 0 : i32
    %dma_start3A_319 = tpu.memref_slice %arg9[%dma_start3A_308, %dma_start3A_317, %dma_start3A_318] : memref<4x104x128xf32, #tpu.memory_space<vmem>> -> memref<1x104x128xf32, #tpu.memory_space<vmem>>
    %dma_start3A_320 = tpu.memref_squeeze %dma_start3A_319 : memref<1x104x128xf32, #tpu.memory_space<vmem>> -> memref<104x128xf32, #tpu.memory_space<vmem>>
    tpu.enqueue_dma source(%dma_start3A_320 : memref<104x128xf32, #tpu.memory_space<vmem>>) target(%dma_start3A_316 : memref<104x128xf32, #tpu.memory_space<hbm>>) target_semaphore(%arg13 : memref<!tpu.dma_semaphore, #tpu.memory_space<semaphore_mem>>)
    %dma_wait3A_321 = arith.constant 3 : i32
    %dma_wait3A_322 = arith.constant 3 : i32
    %dma_wait3A_323 = arith.constant 3 : i32
    %dma_wait3A_324 = arith.constant 0 : i32
    %dma_wait3A_325 = arith.constant 0 : i32
    %dma_wait3A_326 = tpu.memref_slice %arg8[%dma_wait3A_322, %dma_wait3A_324, %dma_wait3A_325] : memref<4x104x128xf32, #tpu.memory_space<vmem>> -> memref<1x104x128xf32, #tpu.memory_space<vmem>>
    %dma_wait3A_327 = tpu.memref_squeeze %dma_wait3A_326 : memref<1x104x128xf32, #tpu.memory_space<vmem>> -> memref<104x128xf32, #tpu.memory_space<vmem>>
    %dma_wait3A_328 = arith.constant 0 : i32
    %dma_wait3A_329 = tpu.memref_slice %arg7[%dma_wait3A_321, %dma_wait3A_328] : memref<4x104xi32, #tpu.memory_space<vmem>> -> memref<1x104xi32, #tpu.memory_space<vmem>>
    %dma_wait3A_330 = tpu.memref_squeeze %dma_wait3A_329 : memref<1x104xi32, #tpu.memory_space<vmem>> -> memref<104xi32, #tpu.memory_space<vmem>>
    %dma_wait3A_331 = arith.constant 0 : i32
    %dma_wait3A_332 = arith.constant 0 : i32
    %dma_wait3A_333 = tpu.memref_slice %arg2[%dma_wait3A_331, %dma_wait3A_332] : memref<32768x128xf32, #tpu.memory_space<hbm>> -> memref<32768x128xf32, #tpu.memory_space<hbm>>
    %dma_wait3A_334 = tpu.memref_slice %arg11[%dma_wait3A_323] : memref<4x!tpu.dma_semaphore, #tpu.memory_space<semaphore_mem>> -> memref<1x!tpu.dma_semaphore, #tpu.memory_space<semaphore_mem>>
    %dma_wait3A_335 = tpu.memref_squeeze %dma_wait3A_334 : memref<1x!tpu.dma_semaphore, #tpu.memory_space<semaphore_mem>> -> memref<!tpu.dma_semaphore, #tpu.memory_space<semaphore_mem>>
    tpu.wait_indirect_dma semaphore(%dma_wait3A_335 : memref<!tpu.dma_semaphore, #tpu.memory_space<semaphore_mem>>) src(%dma_wait3A_333 : memref<32768x128xf32, #tpu.memory_space<hbm>>) dst(%dma_wait3A_327 : memref<104x128xf32, #tpu.memory_space<vmem>>)
    %dma_wait3A_336 = arith.constant 3 : i32
    %dma_wait3A_337 = arith.constant 3 : i32
    %dma_wait3A_338 = arith.constant 3 : i32
    %dma_wait3A_339 = arith.constant 0 : i32
    %dma_wait3A_340 = arith.constant 0 : i32
    %dma_wait3A_341 = tpu.memref_slice %arg9[%dma_wait3A_337, %dma_wait3A_339, %dma_wait3A_340] : memref<4x104x128xf32, #tpu.memory_space<vmem>> -> memref<1x104x128xf32, #tpu.memory_space<vmem>>
    %dma_wait3A_342 = tpu.memref_squeeze %dma_wait3A_341 : memref<1x104x128xf32, #tpu.memory_space<vmem>> -> memref<104x128xf32, #tpu.memory_space<vmem>>
    %dma_wait3A_343 = arith.constant 0 : i32
    %dma_wait3A_344 = tpu.memref_slice %arg7[%dma_wait3A_336, %dma_wait3A_343] : memref<4x104xi32, #tpu.memory_space<vmem>> -> memref<1x104xi32, #tpu.memory_space<vmem>>
    %dma_wait3A_345 = tpu.memref_squeeze %dma_wait3A_344 : memref<1x104xi32, #tpu.memory_space<vmem>> -> memref<104xi32, #tpu.memory_space<vmem>>
    %dma_wait3A_346 = arith.constant 0 : i32
    %dma_wait3A_347 = arith.constant 0 : i32
    %dma_wait3A_348 = tpu.memref_slice %arg3[%dma_wait3A_346, %dma_wait3A_347] : memref<32768x128xf32, #tpu.memory_space<hbm>> -> memref<32768x128xf32, #tpu.memory_space<hbm>>
    %dma_wait3A_349 = tpu.memref_slice %arg12[%dma_wait3A_338] : memref<4x!tpu.dma_semaphore, #tpu.memory_space<semaphore_mem>> -> memref<1x!tpu.dma_semaphore, #tpu.memory_space<semaphore_mem>>
    %dma_wait3A_350 = tpu.memref_squeeze %dma_wait3A_349 : memref<1x!tpu.dma_semaphore, #tpu.memory_space<semaphore_mem>> -> memref<!tpu.dma_semaphore, #tpu.memory_space<semaphore_mem>>
    tpu.wait_indirect_dma semaphore(%dma_wait3A_350 : memref<!tpu.dma_semaphore, #tpu.memory_space<semaphore_mem>>) src(%dma_wait3A_348 : memref<32768x128xf32, #tpu.memory_space<hbm>>) dst(%dma_wait3A_342 : memref<104x128xf32, #tpu.memory_space<vmem>>)
    %mul3A_351 = arith.constant 4 : i32
    %mul3A_352 = arith.muli %add3A, %mul3A_351 : i32
    %add3A_353 = arith.constant 3 : i32
    %add3A_354 = arith.addi %mul3A_352, %add3A_353 : i32
    %mul3A_355 = arith.constant 104 : i32
    %mul3A_356 = arith.muli %add3A_354, %mul3A_355 : i32
    %dma_start3A_357 = arith.constant 3 : i32
    %dma_start3A_358 = arith.constant 0 : i32
    %dma_start3A_359 = arith.constant 0 : i32
    %dma_start3A_360 = tpu.memref_slice %arg8[%dma_start3A_357, %dma_start3A_358, %dma_start3A_359] : memref<4x104x128xf32, #tpu.memory_space<vmem>> -> memref<1x104x128xf32, #tpu.memory_space<vmem>>
    %dma_start3A_361 = tpu.memref_squeeze %dma_start3A_360 : memref<1x104x128xf32, #tpu.memory_space<vmem>> -> memref<104x128xf32, #tpu.memory_space<vmem>>
    %dma_start3A_362 = arith.constant 0 : i32
    %dma_start3A_363 = tpu.memref_slice %arg5[%mul3A_356, %dma_start3A_362] : memref<13312x128xf32, #tpu.memory_space<hbm>> -> memref<104x128xf32, #tpu.memory_space<hbm>>
    %dma_start3A_364 = arith.constant 0 : i32
    %dma_start3A_365 = tpu.memref_slice %arg5[%mul3A_356, %dma_start3A_364] : memref<13312x128xf32, #tpu.memory_space<hbm>> -> memref<104x128xf32, #tpu.memory_space<hbm>>
    %dma_start3A_366 = arith.constant 0 : i32
    %dma_start3A_367 = arith.constant 0 : i32
    %dma_start3A_368 = tpu.memref_slice %arg8[%dma_start3A_357, %dma_start3A_366, %dma_start3A_367] : memref<4x104x128xf32, #tpu.memory_space<vmem>> -> memref<1x104x128xf32, #tpu.memory_space<vmem>>
    %dma_start3A_369 = tpu.memref_squeeze %dma_start3A_368 : memref<1x104x128xf32, #tpu.memory_space<vmem>> -> memref<104x128xf32, #tpu.memory_space<vmem>>
    tpu.enqueue_dma source(%dma_start3A_369 : memref<104x128xf32, #tpu.memory_space<vmem>>) target(%dma_start3A_365 : memref<104x128xf32, #tpu.memory_space<hbm>>) target_semaphore(%arg13 : memref<!tpu.dma_semaphore, #tpu.memory_space<semaphore_mem>>)
    %dma_start3A_370 = arith.constant 3 : i32
    %dma_start3A_371 = arith.constant 0 : i32
    %dma_start3A_372 = arith.constant 0 : i32
    %dma_start3A_373 = tpu.memref_slice %arg9[%dma_start3A_370, %dma_start3A_371, %dma_start3A_372] : memref<4x104x128xf32, #tpu.memory_space<vmem>> -> memref<1x104x128xf32, #tpu.memory_space<vmem>>
    %dma_start3A_374 = tpu.memref_squeeze %dma_start3A_373 : memref<1x104x128xf32, #tpu.memory_space<vmem>> -> memref<104x128xf32, #tpu.memory_space<vmem>>
    %dma_start3A_375 = arith.constant 0 : i32
    %dma_start3A_376 = tpu.memref_slice %arg6[%mul3A_356, %dma_start3A_375] : memref<13312x128xf32, #tpu.memory_space<hbm>> -> memref<104x128xf32, #tpu.memory_space<hbm>>
    %dma_start3A_377 = arith.constant 0 : i32
    %dma_start3A_378 = tpu.memref_slice %arg6[%mul3A_356, %dma_start3A_377] : memref<13312x128xf32, #tpu.memory_space<hbm>> -> memref<104x128xf32, #tpu.memory_space<hbm>>
    %dma_start3A_379 = arith.constant 0 : i32
    %dma_start3A_380 = arith.constant 0 : i32
    %dma_start3A_381 = tpu.memref_slice %arg9[%dma_start3A_370, %dma_start3A_379, %dma_start3A_380] : memref<4x104x128xf32, #tpu.memory_space<vmem>> -> memref<1x104x128xf32, #tpu.memory_space<vmem>>
    %dma_start3A_382 = tpu.memref_squeeze %dma_start3A_381 : memref<1x104x128xf32, #tpu.memory_space<vmem>> -> memref<104x128xf32, #tpu.memory_space<vmem>>
    tpu.enqueue_dma source(%dma_start3A_382 : memref<104x128xf32, #tpu.memory_space<vmem>>) target(%dma_start3A_378 : memref<104x128xf32, #tpu.memory_space<hbm>>) target_semaphore(%arg13 : memref<!tpu.dma_semaphore, #tpu.memory_space<semaphore_mem>>)
    %dma_wait3A_383 = arith.constant 0 : i32
    %dma_wait3A_384 = arith.constant 0 : i32
    %dma_wait3A_385 = arith.constant 0 : i32
    %dma_wait3A_386 = tpu.memref_slice %arg8[%dma_wait3A_383, %dma_wait3A_384, %dma_wait3A_385] : memref<4x104x128xf32, #tpu.memory_space<vmem>> -> memref<1x104x128xf32, #tpu.memory_space<vmem>>
    %dma_wait3A_387 = tpu.memref_squeeze %dma_wait3A_386 : memref<1x104x128xf32, #tpu.memory_space<vmem>> -> memref<104x128xf32, #tpu.memory_space<vmem>>
    %dma_wait3A_388 = arith.constant 0 : i32
    %dma_wait3A_389 = tpu.memref_slice %arg5[%mul3A_170, %dma_wait3A_388] : memref<13312x128xf32, #tpu.memory_space<hbm>> -> memref<104x128xf32, #tpu.memory_space<hbm>>
    %dma_wait3A_390 = arith.constant 0 : i32
    %dma_wait3A_391 = tpu.memref_slice %arg5[%mul3A_170, %dma_wait3A_390] : memref<13312x128xf32, #tpu.memory_space<hbm>> -> memref<104x128xf32, #tpu.memory_space<hbm>>
    %dma_wait3A_392 = arith.constant 0 : i32
    %dma_wait3A_393 = arith.constant 0 : i32
    %dma_wait3A_394 = tpu.memref_slice %arg8[%dma_wait3A_383, %dma_wait3A_392, %dma_wait3A_393] : memref<4x104x128xf32, #tpu.memory_space<vmem>> -> memref<1x104x128xf32, #tpu.memory_space<vmem>>
    %dma_wait3A_395 = tpu.memref_squeeze %dma_wait3A_394 : memref<1x104x128xf32, #tpu.memory_space<vmem>> -> memref<104x128xf32, #tpu.memory_space<vmem>>
    tpu.wait_dma2 semaphore(%arg13 : memref<!tpu.dma_semaphore, #tpu.memory_space<semaphore_mem>>) src(%dma_wait3A_395 : memref<104x128xf32, #tpu.memory_space<vmem>>) dst(%dma_wait3A_391 : memref<104x128xf32, #tpu.memory_space<hbm>>)
    %dma_wait3A_396 = arith.constant 0 : i32
    %dma_wait3A_397 = arith.constant 0 : i32
    %dma_wait3A_398 = arith.constant 0 : i32
    %dma_wait3A_399 = tpu.memref_slice %arg9[%dma_wait3A_396, %dma_wait3A_397, %dma_wait3A_398] : memref<4x104x128xf32, #tpu.memory_space<vmem>> -> memref<1x104x128xf32, #tpu.memory_space<vmem>>
    %dma_wait3A_400 = tpu.memref_squeeze %dma_wait3A_399 : memref<1x104x128xf32, #tpu.memory_space<vmem>> -> memref<104x128xf32, #tpu.memory_space<vmem>>
    %dma_wait3A_401 = arith.constant 0 : i32
    %dma_wait3A_402 = tpu.memref_slice %arg6[%mul3A_170, %dma_wait3A_401] : memref<13312x128xf32, #tpu.memory_space<hbm>> -> memref<104x128xf32, #tpu.memory_space<hbm>>
    %dma_wait3A_403 = arith.constant 0 : i32
    %dma_wait3A_404 = tpu.memref_slice %arg6[%mul3A_170, %dma_wait3A_403] : memref<13312x128xf32, #tpu.memory_space<hbm>> -> memref<104x128xf32, #tpu.memory_space<hbm>>
    %dma_wait3A_405 = arith.constant 0 : i32
    %dma_wait3A_406 = arith.constant 0 : i32
    %dma_wait3A_407 = tpu.memref_slice %arg9[%dma_wait3A_396, %dma_wait3A_405, %dma_wait3A_406] : memref<4x104x128xf32, #tpu.memory_space<vmem>> -> memref<1x104x128xf32, #tpu.memory_space<vmem>>
    %dma_wait3A_408 = tpu.memref_squeeze %dma_wait3A_407 : memref<1x104x128xf32, #tpu.memory_space<vmem>> -> memref<104x128xf32, #tpu.memory_space<vmem>>
    tpu.wait_dma2 semaphore(%arg13 : memref<!tpu.dma_semaphore, #tpu.memory_space<semaphore_mem>>) src(%dma_wait3A_408 : memref<104x128xf32, #tpu.memory_space<vmem>>) dst(%dma_wait3A_404 : memref<104x128xf32, #tpu.memory_space<hbm>>)
    %dma_wait3A_409 = arith.constant 1 : i32
    %dma_wait3A_410 = arith.constant 0 : i32
    %dma_wait3A_411 = arith.constant 0 : i32
    %dma_wait3A_412 = tpu.memref_slice %arg8[%dma_wait3A_409, %dma_wait3A_410, %dma_wait3A_411] : memref<4x104x128xf32, #tpu.memory_space<vmem>> -> memref<1x104x128xf32, #tpu.memory_space<vmem>>
    %dma_wait3A_413 = tpu.memref_squeeze %dma_wait3A_412 : memref<1x104x128xf32, #tpu.memory_space<vmem>> -> memref<104x128xf32, #tpu.memory_space<vmem>>
    %dma_wait3A_414 = arith.constant 0 : i32
    %dma_wait3A_415 = tpu.memref_slice %arg5[%mul3A_232, %dma_wait3A_414] : memref<13312x128xf32, #tpu.memory_space<hbm>> -> memref<104x128xf32, #tpu.memory_space<hbm>>
    %dma_wait3A_416 = arith.constant 0 : i32
    %dma_wait3A_417 = tpu.memref_slice %arg5[%mul3A_232, %dma_wait3A_416] : memref<13312x128xf32, #tpu.memory_space<hbm>> -> memref<104x128xf32, #tpu.memory_space<hbm>>
    %dma_wait3A_418 = arith.constant 0 : i32
    %dma_wait3A_419 = arith.constant 0 : i32
    %dma_wait3A_420 = tpu.memref_slice %arg8[%dma_wait3A_409, %dma_wait3A_418, %dma_wait3A_419] : memref<4x104x128xf32, #tpu.memory_space<vmem>> -> memref<1x104x128xf32, #tpu.memory_space<vmem>>
    %dma_wait3A_421 = tpu.memref_squeeze %dma_wait3A_420 : memref<1x104x128xf32, #tpu.memory_space<vmem>> -> memref<104x128xf32, #tpu.memory_space<vmem>>
    tpu.wait_dma2 semaphore(%arg13 : memref<!tpu.dma_semaphore, #tpu.memory_space<semaphore_mem>>) src(%dma_wait3A_421 : memref<104x128xf32, #tpu.memory_space<vmem>>) dst(%dma_wait3A_417 : memref<104x128xf32, #tpu.memory_space<hbm>>)
    %dma_wait3A_422 = arith.constant 1 : i32
    %dma_wait3A_423 = arith.constant 0 : i32
    %dma_wait3A_424 = arith.constant 0 : i32
    %dma_wait3A_425 = tpu.memref_slice %arg9[%dma_wait3A_422, %dma_wait3A_423, %dma_wait3A_424] : memref<4x104x128xf32, #tpu.memory_space<vmem>> -> memref<1x104x128xf32, #tpu.memory_space<vmem>>
    %dma_wait3A_426 = tpu.memref_squeeze %dma_wait3A_425 : memref<1x104x128xf32, #tpu.memory_space<vmem>> -> memref<104x128xf32, #tpu.memory_space<vmem>>
    %dma_wait3A_427 = arith.constant 0 : i32
    %dma_wait3A_428 = tpu.memref_slice %arg6[%mul3A_232, %dma_wait3A_427] : memref<13312x128xf32, #tpu.memory_space<hbm>> -> memref<104x128xf32, #tpu.memory_space<hbm>>
    %dma_wait3A_429 = arith.constant 0 : i32
    %dma_wait3A_430 = tpu.memref_slice %arg6[%mul3A_232, %dma_wait3A_429] : memref<13312x128xf32, #tpu.memory_space<hbm>> -> memref<104x128xf32, #tpu.memory_space<hbm>>
    %dma_wait3A_431 = arith.constant 0 : i32
    %dma_wait3A_432 = arith.constant 0 : i32
    %dma_wait3A_433 = tpu.memref_slice %arg9[%dma_wait3A_422, %dma_wait3A_431, %dma_wait3A_432] : memref<4x104x128xf32, #tpu.memory_space<vmem>> -> memref<1x104x128xf32, #tpu.memory_space<vmem>>
    %dma_wait3A_434 = tpu.memref_squeeze %dma_wait3A_433 : memref<1x104x128xf32, #tpu.memory_space<vmem>> -> memref<104x128xf32, #tpu.memory_space<vmem>>
    tpu.wait_dma2 semaphore(%arg13 : memref<!tpu.dma_semaphore, #tpu.memory_space<semaphore_mem>>) src(%dma_wait3A_434 : memref<104x128xf32, #tpu.memory_space<vmem>>) dst(%dma_wait3A_430 : memref<104x128xf32, #tpu.memory_space<hbm>>)
    %dma_wait3A_435 = arith.constant 2 : i32
    %dma_wait3A_436 = arith.constant 0 : i32
    %dma_wait3A_437 = arith.constant 0 : i32
    %dma_wait3A_438 = tpu.memref_slice %arg8[%dma_wait3A_435, %dma_wait3A_436, %dma_wait3A_437] : memref<4x104x128xf32, #tpu.memory_space<vmem>> -> memref<1x104x128xf32, #tpu.memory_space<vmem>>
    %dma_wait3A_439 = tpu.memref_squeeze %dma_wait3A_438 : memref<1x104x128xf32, #tpu.memory_space<vmem>> -> memref<104x128xf32, #tpu.memory_space<vmem>>
    %dma_wait3A_440 = arith.constant 0 : i32
    %dma_wait3A_441 = tpu.memref_slice %arg5[%mul3A_294, %dma_wait3A_440] : memref<13312x128xf32, #tpu.memory_space<hbm>> -> memref<104x128xf32, #tpu.memory_space<hbm>>
    %dma_wait3A_442 = arith.constant 0 : i32
    %dma_wait3A_443 = tpu.memref_slice %arg5[%mul3A_294, %dma_wait3A_442] : memref<13312x128xf32, #tpu.memory_space<hbm>> -> memref<104x128xf32, #tpu.memory_space<hbm>>
    %dma_wait3A_444 = arith.constant 0 : i32
    %dma_wait3A_445 = arith.constant 0 : i32
    %dma_wait3A_446 = tpu.memref_slice %arg8[%dma_wait3A_435, %dma_wait3A_444, %dma_wait3A_445] : memref<4x104x128xf32, #tpu.memory_space<vmem>> -> memref<1x104x128xf32, #tpu.memory_space<vmem>>
    %dma_wait3A_447 = tpu.memref_squeeze %dma_wait3A_446 : memref<1x104x128xf32, #tpu.memory_space<vmem>> -> memref<104x128xf32, #tpu.memory_space<vmem>>
    tpu.wait_dma2 semaphore(%arg13 : memref<!tpu.dma_semaphore, #tpu.memory_space<semaphore_mem>>) src(%dma_wait3A_447 : memref<104x128xf32, #tpu.memory_space<vmem>>) dst(%dma_wait3A_443 : memref<104x128xf32, #tpu.memory_space<hbm>>)
    %dma_wait3A_448 = arith.constant 2 : i32
    %dma_wait3A_449 = arith.constant 0 : i32
    %dma_wait3A_450 = arith.constant 0 : i32
    %dma_wait3A_451 = tpu.memref_slice %arg9[%dma_wait3A_448, %dma_wait3A_449, %dma_wait3A_450] : memref<4x104x128xf32, #tpu.memory_space<vmem>> -> memref<1x104x128xf32, #tpu.memory_space<vmem>>
    %dma_wait3A_452 = tpu.memref_squeeze %dma_wait3A_451 : memref<1x104x128xf32, #tpu.memory_space<vmem>> -> memref<104x128xf32, #tpu.memory_space<vmem>>
    %dma_wait3A_453 = arith.constant 0 : i32
    %dma_wait3A_454 = tpu.memref_slice %arg6[%mul3A_294, %dma_wait3A_453] : memref<13312x128xf32, #tpu.memory_space<hbm>> -> memref<104x128xf32, #tpu.memory_space<hbm>>
    %dma_wait3A_455 = arith.constant 0 : i32
    %dma_wait3A_456 = tpu.memref_slice %arg6[%mul3A_294, %dma_wait3A_455] : memref<13312x128xf32, #tpu.memory_space<hbm>> -> memref<104x128xf32, #tpu.memory_space<hbm>>
    %dma_wait3A_457 = arith.constant 0 : i32
    %dma_wait3A_458 = arith.constant 0 : i32
    %dma_wait3A_459 = tpu.memref_slice %arg9[%dma_wait3A_448, %dma_wait3A_457, %dma_wait3A_458] : memref<4x104x128xf32, #tpu.memory_space<vmem>> -> memref<1x104x128xf32, #tpu.memory_space<vmem>>
    %dma_wait3A_460 = tpu.memref_squeeze %dma_wait3A_459 : memref<1x104x128xf32, #tpu.memory_space<vmem>> -> memref<104x128xf32, #tpu.memory_space<vmem>>
    tpu.wait_dma2 semaphore(%arg13 : memref<!tpu.dma_semaphore, #tpu.memory_space<semaphore_mem>>) src(%dma_wait3A_460 : memref<104x128xf32, #tpu.memory_space<vmem>>) dst(%dma_wait3A_456 : memref<104x128xf32, #tpu.memory_space<hbm>>)
    %dma_wait3A_461 = arith.constant 3 : i32
    %dma_wait3A_462 = arith.constant 0 : i32
    %dma_wait3A_463 = arith.constant 0 : i32
    %dma_wait3A_464 = tpu.memref_slice %arg8[%dma_wait3A_461, %dma_wait3A_462, %dma_wait3A_463] : memref<4x104x128xf32, #tpu.memory_space<vmem>> -> memref<1x104x128xf32, #tpu.memory_space<vmem>>
    %dma_wait3A_465 = tpu.memref_squeeze %dma_wait3A_464 : memref<1x104x128xf32, #tpu.memory_space<vmem>> -> memref<104x128xf32, #tpu.memory_space<vmem>>
    %dma_wait3A_466 = arith.constant 0 : i32
    %dma_wait3A_467 = tpu.memref_slice %arg5[%mul3A_356, %dma_wait3A_466] : memref<13312x128xf32, #tpu.memory_space<hbm>> -> memref<104x128xf32, #tpu.memory_space<hbm>>
    %dma_wait3A_468 = arith.constant 0 : i32
    %dma_wait3A_469 = tpu.memref_slice %arg5[%mul3A_356, %dma_wait3A_468] : memref<13312x128xf32, #tpu.memory_space<hbm>> -> memref<104x128xf32, #tpu.memory_space<hbm>>
    %dma_wait3A_470 = arith.constant 0 : i32
    %dma_wait3A_471 = arith.constant 0 : i32
    %dma_wait3A_472 = tpu.memref_slice %arg8[%dma_wait3A_461, %dma_wait3A_470, %dma_wait3A_471] : memref<4x104x128xf32, #tpu.memory_space<vmem>> -> memref<1x104x128xf32, #tpu.memory_space<vmem>>
    %dma_wait3A_473 = tpu.memref_squeeze %dma_wait3A_472 : memref<1x104x128xf32, #tpu.memory_space<vmem>> -> memref<104x128xf32, #tpu.memory_space<vmem>>
    tpu.wait_dma2 semaphore(%arg13 : memref<!tpu.dma_semaphore, #tpu.memory_space<semaphore_mem>>) src(%dma_wait3A_473 : memref<104x128xf32, #tpu.memory_space<vmem>>) dst(%dma_wait3A_469 : memref<104x128xf32, #tpu.memory_space<hbm>>)
    %dma_wait3A_474 = arith.constant 3 : i32
    %dma_wait3A_475 = arith.constant 0 : i32
    %dma_wait3A_476 = arith.constant 0 : i32
    %dma_wait3A_477 = tpu.memref_slice %arg9[%dma_wait3A_474, %dma_wait3A_475, %dma_wait3A_476] : memref<4x104x128xf32, #tpu.memory_space<vmem>> -> memref<1x104x128xf32, #tpu.memory_space<vmem>>
    %dma_wait3A_478 = tpu.memref_squeeze %dma_wait3A_477 : memref<1x104x128xf32, #tpu.memory_space<vmem>> -> memref<104x128xf32, #tpu.memory_space<vmem>>
    %dma_wait3A_479 = arith.constant 0 : i32
    %dma_wait3A_480 = tpu.memref_slice %arg6[%mul3A_356, %dma_wait3A_479] : memref<13312x128xf32, #tpu.memory_space<hbm>> -> memref<104x128xf32, #tpu.memory_space<hbm>>
    %dma_wait3A_481 = arith.constant 0 : i32
    %dma_wait3A_482 = tpu.memref_slice %arg6[%mul3A_356, %dma_wait3A_481] : memref<13312x128xf32, #tpu.memory_space<hbm>> -> memref<104x128xf32, #tpu.memory_space<hbm>>
    %dma_wait3A_483 = arith.constant 0 : i32
    %dma_wait3A_484 = arith.constant 0 : i32
    %dma_wait3A_485 = tpu.memref_slice %arg9[%dma_wait3A_474, %dma_wait3A_483, %dma_wait3A_484] : memref<4x104x128xf32, #tpu.memory_space<vmem>> -> memref<1x104x128xf32, #tpu.memory_space<vmem>>
    %dma_wait3A_486 = tpu.memref_squeeze %dma_wait3A_485 : memref<1x104x128xf32, #tpu.memory_space<vmem>> -> memref<104x128xf32, #tpu.memory_space<vmem>>
    tpu.wait_dma2 semaphore(%arg13 : memref<!tpu.dma_semaphore, #tpu.memory_space<semaphore_mem>>) src(%dma_wait3A_486 : memref<104x128xf32, #tpu.memory_space<vmem>>) dst(%dma_wait3A_482 : memref<104x128xf32, #tpu.memory_space<hbm>>)
    return
  }
}

module attributes {stable_mosaic.version = 14 : i64} {
  func.func @_reduce_select_body(%arg0: i32, %arg1: memref<1x1x2048x1536xf32, #tpu.memory_space<vmem>>, %arg2: memref<32x4x104xi32, #tpu.memory_space<vmem>>, %arg3: memref<16x1x1536xf32, #tpu.memory_space<vmem>>) attributes {dimension_semantics = [#tpu.dimension_semantics<arbitrary>], iteration_bounds = array<i64: 16>, scalar_prefetch = 0 : i64, scratch_operands = 1 : i64, tpu.core_type = #tpu.core_type<tc>, window_params = [{transform_indices = @transform_0, window_bounds = array<i64: 1, 1, 2048, 1536>}, {pipeline_mode = #tpu.pipeline_mode<synchronous>, transform_indices = @transform_1, window_bounds = array<i64: 32, 4, 104>}]} {
    %get3A = arith.constant 0 : index
    %get3A_0 = arith.constant 0 : index
    %get3A_1 = arith.constant 0 : index
    %get3A_2 = arith.constant 0 : index
    %get3A_3 = vector.load %arg1[%get3A, %get3A_0, %get3A_1, %get3A_2] : memref<1x1x2048x1536xf32, #tpu.memory_space<vmem>>, vector<1x1x2048x1536xf32>
    %get3A_4 = vector.shape_cast %get3A_3 : vector<1x1x2048x1536xf32> to vector<2048x1536xf32>
    %reduce_sum3A = arith.constant dense<0.000000e+00> : vector<1536xf32>
    %reduce_sum3A_5 = vector.multi_reduction <add>, %get3A_4, %reduce_sum3A [0] : vector<2048x1536xf32> to vector<1536xf32>
    %swap3A = arith.index_cast %arg0 : i32 to index
    %swap3A_6 = arith.constant 0 : index
    %swap3A_7 = arith.constant 0 : index
    %swap3A_8 = vector.load %arg3[%swap3A, %swap3A_6, %swap3A_7] : memref<16x1x1536xf32, #tpu.memory_space<vmem>>, vector<1x1x1536xf32>
    %swap3A_9 = vector.shape_cast %swap3A_8 : vector<1x1x1536xf32> to vector<1536xf32>
    %swap3A_10 = vector.shape_cast %reduce_sum3A_5 : vector<1536xf32> to vector<1x1x1536xf32>
    tpu.vector_store %arg3[%swap3A, %swap3A_6, %swap3A_7], %swap3A_10 {strides = array<i32>} : memref<16x1x1536xf32, #tpu.memory_space<vmem>>, vector<1x1x1536xf32>,
    %eq3A = arith.constant 15 : i32
    %eq3A_11 = arith.cmpi eq, %arg0, %eq3A : i32
    %convert_element_type3A = arith.extui %eq3A_11 : i1 to i32
    %cond3A = arith.constant 0 : i32
    %cond3A_12 = arith.cmpi ne, %convert_element_type3A, %cond3A : i32
    scf.if %cond3A_12 {
      %get3A_13 = arith.constant 0 : index
      %get3A_14 = arith.constant 0 : index
      %get3A_15 = arith.constant 0 : index
      %get3A_16 = vector.load %arg3[%get3A_13, %get3A_14, %get3A_15] : memref<16x1x1536xf32, #tpu.memory_space<vmem>>, vector<16x1x1536xf32>
      %get3A_17 = vector.shape_cast %get3A_16 : vector<16x1x1536xf32> to vector<16x1536xf32>
      %slice3A = vector.extract_strided_slice %get3A_17 {offsets = [0, 4], sizes = [16, 64], strides = [1, 1]} : vector<16x1536xf32> to vector<16x64xf32>
      %reduce_sum3A_18 = arith.constant dense<0.000000e+00> : vector<16xf32>
      %reduce_sum3A_19 = vector.multi_reduction <add>, %slice3A, %reduce_sum3A_18 [1] : vector<16x64xf32> to vector<16xf32>
      %broadcast_in_dim3A = vector.shape_cast %reduce_sum3A_19 : vector<16xf32> to vector<16x1xf32>
      %slice3A_20 = vector.extract_strided_slice %get3A_17 {offsets = [0, 68], sizes = [16, 64], strides = [1, 1]} : vector<16x1536xf32> to vector<16x64xf32>
      %reduce_sum3A_21 = arith.constant dense<0.000000e+00> : vector<16xf32>
      %reduce_sum3A_22 = vector.multi_reduction <add>, %slice3A_20, %reduce_sum3A_21 [1] : vector<16x64xf32> to vector<16xf32>
      %broadcast_in_dim3A_23 = vector.shape_cast %reduce_sum3A_22 : vector<16xf32> to vector<16x1xf32>
      %slice3A_24 = vector.extract_strided_slice %get3A_17 {offsets = [0, 132], sizes = [16, 64], strides = [1, 1]} : vector<16x1536xf32> to vector<16x64xf32>
      %reduce_sum3A_25 = arith.constant dense<0.000000e+00> : vector<16xf32>
      %reduce_sum3A_26 = vector.multi_reduction <add>, %slice3A_24, %reduce_sum3A_25 [1] : vector<16x64xf32> to vector<16xf32>
      %broadcast_in_dim3A_27 = vector.shape_cast %reduce_sum3A_26 : vector<16xf32> to vector<16x1xf32>
      %slice3A_28 = vector.extract_strided_slice %get3A_17 {offsets = [0, 196], sizes = [16, 64], strides = [1, 1]} : vector<16x1536xf32> to vector<16x64xf32>
      %reduce_sum3A_29 = arith.constant dense<0.000000e+00> : vector<16xf32>
      %reduce_sum3A_30 = vector.multi_reduction <add>, %slice3A_28, %reduce_sum3A_29 [1] : vector<16x64xf32> to vector<16xf32>
      %broadcast_in_dim3A_31 = vector.shape_cast %reduce_sum3A_30 : vector<16xf32> to vector<16x1xf32>
      %slice3A_32 = vector.extract_strided_slice %get3A_17 {offsets = [0, 260], sizes = [16, 64], strides = [1, 1]} : vector<16x1536xf32> to vector<16x64xf32>
      %reduce_sum3A_33 = arith.constant dense<0.000000e+00> : vector<16xf32>
      %reduce_sum3A_34 = vector.multi_reduction <add>, %slice3A_32, %reduce_sum3A_33 [1] : vector<16x64xf32> to vector<16xf32>
      %broadcast_in_dim3A_35 = vector.shape_cast %reduce_sum3A_34 : vector<16xf32> to vector<16x1xf32>
      %slice3A_36 = vector.extract_strided_slice %get3A_17 {offsets = [0, 324], sizes = [16, 64], strides = [1, 1]} : vector<16x1536xf32> to vector<16x64xf32>
      %reduce_sum3A_37 = arith.constant dense<0.000000e+00> : vector<16xf32>
      %reduce_sum3A_38 = vector.multi_reduction <add>, %slice3A_36, %reduce_sum3A_37 [1] : vector<16x64xf32> to vector<16xf32>
      %broadcast_in_dim3A_39 = vector.shape_cast %reduce_sum3A_38 : vector<16xf32> to vector<16x1xf32>
      %slice3A_40 = vector.extract_strided_slice %get3A_17 {offsets = [0, 388], sizes = [16, 64], strides = [1, 1]} : vector<16x1536xf32> to vector<16x64xf32>
      %reduce_sum3A_41 = arith.constant dense<0.000000e+00> : vector<16xf32>
      %reduce_sum3A_42 = vector.multi_reduction <add>, %slice3A_40, %reduce_sum3A_41 [1] : vector<16x64xf32> to vector<16xf32>
      %broadcast_in_dim3A_43 = vector.shape_cast %reduce_sum3A_42 : vector<16xf32> to vector<16x1xf32>
      %slice3A_44 = vector.extract_strided_slice %get3A_17 {offsets = [0, 452], sizes = [16, 64], strides = [1, 1]} : vector<16x1536xf32> to vector<16x64xf32>
      %reduce_sum3A_45 = arith.constant dense<0.000000e+00> : vector<16xf32>
      %reduce_sum3A_46 = vector.multi_reduction <add>, %slice3A_44, %reduce_sum3A_45 [1] : vector<16x64xf32> to vector<16xf32>
      %broadcast_in_dim3A_47 = vector.shape_cast %reduce_sum3A_46 : vector<16xf32> to vector<16x1xf32>
      %slice3A_48 = vector.extract_strided_slice %get3A_17 {offsets = [0, 516], sizes = [16, 64], strides = [1, 1]} : vector<16x1536xf32> to vector<16x64xf32>
      %reduce_sum3A_49 = arith.constant dense<0.000000e+00> : vector<16xf32>
      %reduce_sum3A_50 = vector.multi_reduction <add>, %slice3A_48, %reduce_sum3A_49 [1] : vector<16x64xf32> to vector<16xf32>
      %broadcast_in_dim3A_51 = vector.shape_cast %reduce_sum3A_50 : vector<16xf32> to vector<16x1xf32>
      %slice3A_52 = vector.extract_strided_slice %get3A_17 {offsets = [0, 580], sizes = [16, 64], strides = [1, 1]} : vector<16x1536xf32> to vector<16x64xf32>
      %reduce_sum3A_53 = arith.constant dense<0.000000e+00> : vector<16xf32>
      %reduce_sum3A_54 = vector.multi_reduction <add>, %slice3A_52, %reduce_sum3A_53 [1] : vector<16x64xf32> to vector<16xf32>
      %broadcast_in_dim3A_55 = vector.shape_cast %reduce_sum3A_54 : vector<16xf32> to vector<16x1xf32>
      %slice3A_56 = vector.extract_strided_slice %get3A_17 {offsets = [0, 644], sizes = [16, 64], strides = [1, 1]} : vector<16x1536xf32> to vector<16x64xf32>
      %reduce_sum3A_57 = arith.constant dense<0.000000e+00> : vector<16xf32>
      %reduce_sum3A_58 = vector.multi_reduction <add>, %slice3A_56, %reduce_sum3A_57 [1] : vector<16x64xf32> to vector<16xf32>
      %broadcast_in_dim3A_59 = vector.shape_cast %reduce_sum3A_58 : vector<16xf32> to vector<16x1xf32>
      %slice3A_60 = vector.extract_strided_slice %get3A_17 {offsets = [0, 708], sizes = [16, 64], strides = [1, 1]} : vector<16x1536xf32> to vector<16x64xf32>
      %reduce_sum3A_61 = arith.constant dense<0.000000e+00> : vector<16xf32>
      %reduce_sum3A_62 = vector.multi_reduction <add>, %slice3A_60, %reduce_sum3A_61 [1] : vector<16x64xf32> to vector<16xf32>
      %broadcast_in_dim3A_63 = vector.shape_cast %reduce_sum3A_62 : vector<16xf32> to vector<16x1xf32>
      %slice3A_64 = vector.extract_strided_slice %get3A_17 {offsets = [0, 772], sizes = [16, 64], strides = [1, 1]} : vector<16x1536xf32> to vector<16x64xf32>
      %reduce_sum3A_65 = arith.constant dense<0.000000e+00> : vector<16xf32>
      %reduce_sum3A_66 = vector.multi_reduction <add>, %slice3A_64, %reduce_sum3A_65 [1] : vector<16x64xf32> to vector<16xf32>
      %broadcast_in_dim3A_67 = vector.shape_cast %reduce_sum3A_66 : vector<16xf32> to vector<16x1xf32>
      %slice3A_68 = vector.extract_strided_slice %get3A_17 {offsets = [0, 836], sizes = [16, 64], strides = [1, 1]} : vector<16x1536xf32> to vector<16x64xf32>
      %reduce_sum3A_69 = arith.constant dense<0.000000e+00> : vector<16xf32>
      %reduce_sum3A_70 = vector.multi_reduction <add>, %slice3A_68, %reduce_sum3A_69 [1] : vector<16x64xf32> to vector<16xf32>
      %broadcast_in_dim3A_71 = vector.shape_cast %reduce_sum3A_70 : vector<16xf32> to vector<16x1xf32>
      %slice3A_72 = vector.extract_strided_slice %get3A_17 {offsets = [0, 900], sizes = [16, 64], strides = [1, 1]} : vector<16x1536xf32> to vector<16x64xf32>
      %reduce_sum3A_73 = arith.constant dense<0.000000e+00> : vector<16xf32>
      %reduce_sum3A_74 = vector.multi_reduction <add>, %slice3A_72, %reduce_sum3A_73 [1] : vector<16x64xf32> to vector<16xf32>
      %broadcast_in_dim3A_75 = vector.shape_cast %reduce_sum3A_74 : vector<16xf32> to vector<16x1xf32>
      %slice3A_76 = vector.extract_strided_slice %get3A_17 {offsets = [0, 964], sizes = [16, 64], strides = [1, 1]} : vector<16x1536xf32> to vector<16x64xf32>
      %reduce_sum3A_77 = arith.constant dense<0.000000e+00> : vector<16xf32>
      %reduce_sum3A_78 = vector.multi_reduction <add>, %slice3A_76, %reduce_sum3A_77 [1] : vector<16x64xf32> to vector<16xf32>
      %broadcast_in_dim3A_79 = vector.shape_cast %reduce_sum3A_78 : vector<16xf32> to vector<16x1xf32>
      %slice3A_80 = vector.extract_strided_slice %get3A_17 {offsets = [0, 1028], sizes = [16, 64], strides = [1, 1]} : vector<16x1536xf32> to vector<16x64xf32>
      %reduce_sum3A_81 = arith.constant dense<0.000000e+00> : vector<16xf32>
      %reduce_sum3A_82 = vector.multi_reduction <add>, %slice3A_80, %reduce_sum3A_81 [1] : vector<16x64xf32> to vector<16xf32>
      %broadcast_in_dim3A_83 = vector.shape_cast %reduce_sum3A_82 : vector<16xf32> to vector<16x1xf32>
      %slice3A_84 = vector.extract_strided_slice %get3A_17 {offsets = [0, 1092], sizes = [16, 64], strides = [1, 1]} : vector<16x1536xf32> to vector<16x64xf32>
      %reduce_sum3A_85 = arith.constant dense<0.000000e+00> : vector<16xf32>
      %reduce_sum3A_86 = vector.multi_reduction <add>, %slice3A_84, %reduce_sum3A_85 [1] : vector<16x64xf32> to vector<16xf32>
      %broadcast_in_dim3A_87 = vector.shape_cast %reduce_sum3A_86 : vector<16xf32> to vector<16x1xf32>
      %slice3A_88 = vector.extract_strided_slice %get3A_17 {offsets = [0, 1156], sizes = [16, 64], strides = [1, 1]} : vector<16x1536xf32> to vector<16x64xf32>
      %reduce_sum3A_89 = arith.constant dense<0.000000e+00> : vector<16xf32>
      %reduce_sum3A_90 = vector.multi_reduction <add>, %slice3A_88, %reduce_sum3A_89 [1] : vector<16x64xf32> to vector<16xf32>
      %broadcast_in_dim3A_91 = vector.shape_cast %reduce_sum3A_90 : vector<16xf32> to vector<16x1xf32>
      %slice3A_92 = vector.extract_strided_slice %get3A_17 {offsets = [0, 1220], sizes = [16, 64], strides = [1, 1]} : vector<16x1536xf32> to vector<16x64xf32>
      %reduce_sum3A_93 = arith.constant dense<0.000000e+00> : vector<16xf32>
      %reduce_sum3A_94 = vector.multi_reduction <add>, %slice3A_92, %reduce_sum3A_93 [1] : vector<16x64xf32> to vector<16xf32>
      %broadcast_in_dim3A_95 = vector.shape_cast %reduce_sum3A_94 : vector<16xf32> to vector<16x1xf32>
      %slice3A_96 = vector.extract_strided_slice %get3A_17 {offsets = [0, 1284], sizes = [16, 64], strides = [1, 1]} : vector<16x1536xf32> to vector<16x64xf32>
      %reduce_sum3A_97 = arith.constant dense<0.000000e+00> : vector<16xf32>
      %reduce_sum3A_98 = vector.multi_reduction <add>, %slice3A_96, %reduce_sum3A_97 [1] : vector<16x64xf32> to vector<16xf32>
      %broadcast_in_dim3A_99 = vector.shape_cast %reduce_sum3A_98 : vector<16xf32> to vector<16x1xf32>
      %slice3A_100 = vector.extract_strided_slice %get3A_17 {offsets = [0, 1348], sizes = [16, 64], strides = [1, 1]} : vector<16x1536xf32> to vector<16x64xf32>
      %reduce_sum3A_101 = arith.constant dense<0.000000e+00> : vector<16xf32>
      %reduce_sum3A_102 = vector.multi_reduction <add>, %slice3A_100, %reduce_sum3A_101 [1] : vector<16x64xf32> to vector<16xf32>
      %broadcast_in_dim3A_103 = vector.shape_cast %reduce_sum3A_102 : vector<16xf32> to vector<16x1xf32>
      %slice3A_104 = vector.extract_strided_slice %get3A_17 {offsets = [0, 1412], sizes = [16, 64], strides = [1, 1]} : vector<16x1536xf32> to vector<16x64xf32>
      %reduce_sum3A_105 = arith.constant dense<0.000000e+00> : vector<16xf32>
      %reduce_sum3A_106 = vector.multi_reduction <add>, %slice3A_104, %reduce_sum3A_105 [1] : vector<16x64xf32> to vector<16xf32>
      %broadcast_in_dim3A_107 = vector.shape_cast %reduce_sum3A_106 : vector<16xf32> to vector<16x1xf32>
      %concatenate3A = tpu.concatenate %broadcast_in_dim3A, %broadcast_in_dim3A_23, %broadcast_in_dim3A_27, %broadcast_in_dim3A_31, %broadcast_in_dim3A_35, %broadcast_in_dim3A_39, %broadcast_in_dim3A_43, %broadcast_in_dim3A_47, %broadcast_in_dim3A_51, %broadcast_in_dim3A_55, %broadcast_in_dim3A_59, %broadcast_in_dim3A_63, %broadcast_in_dim3A_67, %broadcast_in_dim3A_71, %broadcast_in_dim3A_75, %broadcast_in_dim3A_79, %broadcast_in_dim3A_83, %broadcast_in_dim3A_87, %broadcast_in_dim3A_91, %broadcast_in_dim3A_95, %broadcast_in_dim3A_99, %broadcast_in_dim3A_103, %broadcast_in_dim3A_107 in 1 : vector<16x1xf32>, vector<16x1xf32>, vector<16x1xf32>, vector<16x1xf32>, vector<16x1xf32>, vector<16x1xf32>, vector<16x1xf32>, vector<16x1xf32>, vector<16x1xf32>, vector<16x1xf32>, vector<16x1xf32>, vector<16x1xf32>, vector<16x1xf32>, vector<16x1xf32>, vector<16x1xf32>, vector<16x1xf32>, vector<16x1xf32>, vector<16x1xf32>, vector<16x1xf32>, vector<16x1xf32>, vector<16x1xf32>, vector<16x1xf32>, vector<16x1xf32> -> vector<16x23xf32>
      %iota3A = tpu.iota {dimensions = array<i32: 1>} : vector<16x23xi32>
      %broadcast_in_dim3A_108 = arith.constant 0 : i32
      %broadcast_in_dim3A_109 = vector.broadcast %broadcast_in_dim3A_108 : i32 to vector<16x23xi32>
      %slice3A_110 = vector.extract_strided_slice %concatenate3A {offsets = [0, 0], sizes = [16, 1], strides = [1, 1]} : vector<16x23xf32> to vector<16x1xf32>
      %gt3A = vector.broadcast %slice3A_110 : vector<16x1xf32> to vector<16x23xf32>
      %gt3A_111 = arith.cmpf ogt, %gt3A, %concatenate3A : vector<16x23xf32>
      %eq3A_112 = vector.broadcast %slice3A_110 : vector<16x1xf32> to vector<16x23xf32>
      %eq3A_113 = arith.cmpf oeq, %eq3A_112, %concatenate3A : vector<16x23xf32>
      %gt3A_114 = arith.constant 0 : i32
      %gt3A_115 = vector.broadcast %gt3A_114 : i32 to vector<16x23xi32>
      %gt3A_116 = arith.cmpi sgt, %iota3A, %gt3A_115 : vector<16x23xi32>
      %and3A = arith.andi %eq3A_113, %gt3A_116 : vector<16x23xi1>
      %or3A = arith.ori %gt3A_111, %and3A : vector<16x23xi1>
      %convert_element_type3A_117 = arith.extui %or3A : vector<16x23xi1> to vector<16x23xi32>
      %add3A = arith.addi %broadcast_in_dim3A_109, %convert_element_type3A_117 : vector<16x23xi32>
      %slice3A_118 = vector.extract_strided_slice %concatenate3A {offsets = [0, 1], sizes = [16, 1], strides = [1, 1]} : vector<16x23xf32> to vector<16x1xf32>
      %gt3A_119 = vector.broadcast %slice3A_118 : vector<16x1xf32> to vector<16x23xf32>
      %gt3A_120 = arith.cmpf ogt, %gt3A_119, %concatenate3A : vector<16x23xf32>
      %eq3A_121 = vector.broadcast %slice3A_118 : vector<16x1xf32> to vector<16x23xf32>
      %eq3A_122 = arith.cmpf oeq, %eq3A_121, %concatenate3A : vector<16x23xf32>
      %gt3A_123 = arith.constant 1 : i32
      %gt3A_124 = vector.broadcast %gt3A_123 : i32 to vector<16x23xi32>
      %gt3A_125 = arith.cmpi sgt, %iota3A, %gt3A_124 : vector<16x23xi32>
      %and3A_126 = arith.andi %eq3A_122, %gt3A_125 : vector<16x23xi1>
      %or3A_127 = arith.ori %gt3A_120, %and3A_126 : vector<16x23xi1>
      %convert_element_type3A_128 = arith.extui %or3A_127 : vector<16x23xi1> to vector<16x23xi32>
      %add3A_129 = arith.addi %add3A, %convert_element_type3A_128 : vector<16x23xi32>
      %slice3A_130 = vector.extract_strided_slice %concatenate3A {offsets = [0, 2], sizes = [16, 1], strides = [1, 1]} : vector<16x23xf32> to vector<16x1xf32>
      %gt3A_131 = vector.broadcast %slice3A_130 : vector<16x1xf32> to vector<16x23xf32>
      %gt3A_132 = arith.cmpf ogt, %gt3A_131, %concatenate3A : vector<16x23xf32>
      %eq3A_133 = vector.broadcast %slice3A_130 : vector<16x1xf32> to vector<16x23xf32>
      %eq3A_134 = arith.cmpf oeq, %eq3A_133, %concatenate3A : vector<16x23xf32>
      %gt3A_135 = arith.constant 2 : i32
      %gt3A_136 = vector.broadcast %gt3A_135 : i32 to vector<16x23xi32>
      %gt3A_137 = arith.cmpi sgt, %iota3A, %gt3A_136 : vector<16x23xi32>
      %and3A_138 = arith.andi %eq3A_134, %gt3A_137 : vector<16x23xi1>
      %or3A_139 = arith.ori %gt3A_132, %and3A_138 : vector<16x23xi1>
      %convert_element_type3A_140 = arith.extui %or3A_139 : vector<16x23xi1> to vector<16x23xi32>
      %add3A_141 = arith.addi %add3A_129, %convert_element_type3A_140 : vector<16x23xi32>
      %slice3A_142 = vector.extract_strided_slice %concatenate3A {offsets = [0, 3], sizes = [16, 1], strides = [1, 1]} : vector<16x23xf32> to vector<16x1xf32>
      %gt3A_143 = vector.broadcast %slice3A_142 : vector<16x1xf32> to vector<16x23xf32>
      %gt3A_144 = arith.cmpf ogt, %gt3A_143, %concatenate3A : vector<16x23xf32>
      %eq3A_145 = vector.broadcast %slice3A_142 : vector<16x1xf32> to vector<16x23xf32>
      %eq3A_146 = arith.cmpf oeq, %eq3A_145, %concatenate3A : vector<16x23xf32>
      %gt3A_147 = arith.constant 3 : i32
      %gt3A_148 = vector.broadcast %gt3A_147 : i32 to vector<16x23xi32>
      %gt3A_149 = arith.cmpi sgt, %iota3A, %gt3A_148 : vector<16x23xi32>
      %and3A_150 = arith.andi %eq3A_146, %gt3A_149 : vector<16x23xi1>
      %or3A_151 = arith.ori %gt3A_144, %and3A_150 : vector<16x23xi1>
      %convert_element_type3A_152 = arith.extui %or3A_151 : vector<16x23xi1> to vector<16x23xi32>
      %add3A_153 = arith.addi %add3A_141, %convert_element_type3A_152 : vector<16x23xi32>
      %slice3A_154 = vector.extract_strided_slice %concatenate3A {offsets = [0, 4], sizes = [16, 1], strides = [1, 1]} : vector<16x23xf32> to vector<16x1xf32>
      %gt3A_155 = vector.broadcast %slice3A_154 : vector<16x1xf32> to vector<16x23xf32>
      %gt3A_156 = arith.cmpf ogt, %gt3A_155, %concatenate3A : vector<16x23xf32>
      %eq3A_157 = vector.broadcast %slice3A_154 : vector<16x1xf32> to vector<16x23xf32>
      %eq3A_158 = arith.cmpf oeq, %eq3A_157, %concatenate3A : vector<16x23xf32>
      %gt3A_159 = arith.constant 4 : i32
      %gt3A_160 = vector.broadcast %gt3A_159 : i32 to vector<16x23xi32>
      %gt3A_161 = arith.cmpi sgt, %iota3A, %gt3A_160 : vector<16x23xi32>
      %and3A_162 = arith.andi %eq3A_158, %gt3A_161 : vector<16x23xi1>
      %or3A_163 = arith.ori %gt3A_156, %and3A_162 : vector<16x23xi1>
      %convert_element_type3A_164 = arith.extui %or3A_163 : vector<16x23xi1> to vector<16x23xi32>
      %add3A_165 = arith.addi %add3A_153, %convert_element_type3A_164 : vector<16x23xi32>
      %slice3A_166 = vector.extract_strided_slice %concatenate3A {offsets = [0, 5], sizes = [16, 1], strides = [1, 1]} : vector<16x23xf32> to vector<16x1xf32>
      %gt3A_167 = vector.broadcast %slice3A_166 : vector<16x1xf32> to vector<16x23xf32>
      %gt3A_168 = arith.cmpf ogt, %gt3A_167, %concatenate3A : vector<16x23xf32>
      %eq3A_169 = vector.broadcast %slice3A_166 : vector<16x1xf32> to vector<16x23xf32>
      %eq3A_170 = arith.cmpf oeq, %eq3A_169, %concatenate3A : vector<16x23xf32>
      %gt3A_171 = arith.constant 5 : i32
      %gt3A_172 = vector.broadcast %gt3A_171 : i32 to vector<16x23xi32>
      %gt3A_173 = arith.cmpi sgt, %iota3A, %gt3A_172 : vector<16x23xi32>
      %and3A_174 = arith.andi %eq3A_170, %gt3A_173 : vector<16x23xi1>
      %or3A_175 = arith.ori %gt3A_168, %and3A_174 : vector<16x23xi1>
      %convert_element_type3A_176 = arith.extui %or3A_175 : vector<16x23xi1> to vector<16x23xi32>
      %add3A_177 = arith.addi %add3A_165, %convert_element_type3A_176 : vector<16x23xi32>
      %slice3A_178 = vector.extract_strided_slice %concatenate3A {offsets = [0, 6], sizes = [16, 1], strides = [1, 1]} : vector<16x23xf32> to vector<16x1xf32>
      %gt3A_179 = vector.broadcast %slice3A_178 : vector<16x1xf32> to vector<16x23xf32>
      %gt3A_180 = arith.cmpf ogt, %gt3A_179, %concatenate3A : vector<16x23xf32>
      %eq3A_181 = vector.broadcast %slice3A_178 : vector<16x1xf32> to vector<16x23xf32>
      %eq3A_182 = arith.cmpf oeq, %eq3A_181, %concatenate3A : vector<16x23xf32>
      %gt3A_183 = arith.constant 6 : i32
      %gt3A_184 = vector.broadcast %gt3A_183 : i32 to vector<16x23xi32>
      %gt3A_185 = arith.cmpi sgt, %iota3A, %gt3A_184 : vector<16x23xi32>
      %and3A_186 = arith.andi %eq3A_182, %gt3A_185 : vector<16x23xi1>
      %or3A_187 = arith.ori %gt3A_180, %and3A_186 : vector<16x23xi1>
      %convert_element_type3A_188 = arith.extui %or3A_187 : vector<16x23xi1> to vector<16x23xi32>
      %add3A_189 = arith.addi %add3A_177, %convert_element_type3A_188 : vector<16x23xi32>
      %slice3A_190 = vector.extract_strided_slice %concatenate3A {offsets = [0, 7], sizes = [16, 1], strides = [1, 1]} : vector<16x23xf32> to vector<16x1xf32>
      %gt3A_191 = vector.broadcast %slice3A_190 : vector<16x1xf32> to vector<16x23xf32>
      %gt3A_192 = arith.cmpf ogt, %gt3A_191, %concatenate3A : vector<16x23xf32>
      %eq3A_193 = vector.broadcast %slice3A_190 : vector<16x1xf32> to vector<16x23xf32>
      %eq3A_194 = arith.cmpf oeq, %eq3A_193, %concatenate3A : vector<16x23xf32>
      %gt3A_195 = arith.constant 7 : i32
      %gt3A_196 = vector.broadcast %gt3A_195 : i32 to vector<16x23xi32>
      %gt3A_197 = arith.cmpi sgt, %iota3A, %gt3A_196 : vector<16x23xi32>
      %and3A_198 = arith.andi %eq3A_194, %gt3A_197 : vector<16x23xi1>
      %or3A_199 = arith.ori %gt3A_192, %and3A_198 : vector<16x23xi1>
      %convert_element_type3A_200 = arith.extui %or3A_199 : vector<16x23xi1> to vector<16x23xi32>
      %add3A_201 = arith.addi %add3A_189, %convert_element_type3A_200 : vector<16x23xi32>
      %slice3A_202 = vector.extract_strided_slice %concatenate3A {offsets = [0, 8], sizes = [16, 1], strides = [1, 1]} : vector<16x23xf32> to vector<16x1xf32>
      %gt3A_203 = vector.broadcast %slice3A_202 : vector<16x1xf32> to vector<16x23xf32>
      %gt3A_204 = arith.cmpf ogt, %gt3A_203, %concatenate3A : vector<16x23xf32>
      %eq3A_205 = vector.broadcast %slice3A_202 : vector<16x1xf32> to vector<16x23xf32>
      %eq3A_206 = arith.cmpf oeq, %eq3A_205, %concatenate3A : vector<16x23xf32>
      %gt3A_207 = arith.constant 8 : i32
      %gt3A_208 = vector.broadcast %gt3A_207 : i32 to vector<16x23xi32>
      %gt3A_209 = arith.cmpi sgt, %iota3A, %gt3A_208 : vector<16x23xi32>
      %and3A_210 = arith.andi %eq3A_206, %gt3A_209 : vector<16x23xi1>
      %or3A_211 = arith.ori %gt3A_204, %and3A_210 : vector<16x23xi1>
      %convert_element_type3A_212 = arith.extui %or3A_211 : vector<16x23xi1> to vector<16x23xi32>
      %add3A_213 = arith.addi %add3A_201, %convert_element_type3A_212 : vector<16x23xi32>
      %slice3A_214 = vector.extract_strided_slice %concatenate3A {offsets = [0, 9], sizes = [16, 1], strides = [1, 1]} : vector<16x23xf32> to vector<16x1xf32>
      %gt3A_215 = vector.broadcast %slice3A_214 : vector<16x1xf32> to vector<16x23xf32>
      %gt3A_216 = arith.cmpf ogt, %gt3A_215, %concatenate3A : vector<16x23xf32>
      %eq3A_217 = vector.broadcast %slice3A_214 : vector<16x1xf32> to vector<16x23xf32>
      %eq3A_218 = arith.cmpf oeq, %eq3A_217, %concatenate3A : vector<16x23xf32>
      %gt3A_219 = arith.constant 9 : i32
      %gt3A_220 = vector.broadcast %gt3A_219 : i32 to vector<16x23xi32>
      %gt3A_221 = arith.cmpi sgt, %iota3A, %gt3A_220 : vector<16x23xi32>
      %and3A_222 = arith.andi %eq3A_218, %gt3A_221 : vector<16x23xi1>
      %or3A_223 = arith.ori %gt3A_216, %and3A_222 : vector<16x23xi1>
      %convert_element_type3A_224 = arith.extui %or3A_223 : vector<16x23xi1> to vector<16x23xi32>
      %add3A_225 = arith.addi %add3A_213, %convert_element_type3A_224 : vector<16x23xi32>
      %slice3A_226 = vector.extract_strided_slice %concatenate3A {offsets = [0, 10], sizes = [16, 1], strides = [1, 1]} : vector<16x23xf32> to vector<16x1xf32>
      %gt3A_227 = vector.broadcast %slice3A_226 : vector<16x1xf32> to vector<16x23xf32>
      %gt3A_228 = arith.cmpf ogt, %gt3A_227, %concatenate3A : vector<16x23xf32>
      %eq3A_229 = vector.broadcast %slice3A_226 : vector<16x1xf32> to vector<16x23xf32>
      %eq3A_230 = arith.cmpf oeq, %eq3A_229, %concatenate3A : vector<16x23xf32>
      %gt3A_231 = arith.constant 10 : i32
      %gt3A_232 = vector.broadcast %gt3A_231 : i32 to vector<16x23xi32>
      %gt3A_233 = arith.cmpi sgt, %iota3A, %gt3A_232 : vector<16x23xi32>
      %and3A_234 = arith.andi %eq3A_230, %gt3A_233 : vector<16x23xi1>
      %or3A_235 = arith.ori %gt3A_228, %and3A_234 : vector<16x23xi1>
      %convert_element_type3A_236 = arith.extui %or3A_235 : vector<16x23xi1> to vector<16x23xi32>
      %add3A_237 = arith.addi %add3A_225, %convert_element_type3A_236 : vector<16x23xi32>
      %slice3A_238 = vector.extract_strided_slice %concatenate3A {offsets = [0, 11], sizes = [16, 1], strides = [1, 1]} : vector<16x23xf32> to vector<16x1xf32>
      %gt3A_239 = vector.broadcast %slice3A_238 : vector<16x1xf32> to vector<16x23xf32>
      %gt3A_240 = arith.cmpf ogt, %gt3A_239, %concatenate3A : vector<16x23xf32>
      %eq3A_241 = vector.broadcast %slice3A_238 : vector<16x1xf32> to vector<16x23xf32>
      %eq3A_242 = arith.cmpf oeq, %eq3A_241, %concatenate3A : vector<16x23xf32>
      %gt3A_243 = arith.constant 11 : i32
      %gt3A_244 = vector.broadcast %gt3A_243 : i32 to vector<16x23xi32>
      %gt3A_245 = arith.cmpi sgt, %iota3A, %gt3A_244 : vector<16x23xi32>
      %and3A_246 = arith.andi %eq3A_242, %gt3A_245 : vector<16x23xi1>
      %or3A_247 = arith.ori %gt3A_240, %and3A_246 : vector<16x23xi1>
      %convert_element_type3A_248 = arith.extui %or3A_247 : vector<16x23xi1> to vector<16x23xi32>
      %add3A_249 = arith.addi %add3A_237, %convert_element_type3A_248 : vector<16x23xi32>
      %slice3A_250 = vector.extract_strided_slice %concatenate3A {offsets = [0, 12], sizes = [16, 1], strides = [1, 1]} : vector<16x23xf32> to vector<16x1xf32>
      %gt3A_251 = vector.broadcast %slice3A_250 : vector<16x1xf32> to vector<16x23xf32>
      %gt3A_252 = arith.cmpf ogt, %gt3A_251, %concatenate3A : vector<16x23xf32>
      %eq3A_253 = vector.broadcast %slice3A_250 : vector<16x1xf32> to vector<16x23xf32>
      %eq3A_254 = arith.cmpf oeq, %eq3A_253, %concatenate3A : vector<16x23xf32>
      %gt3A_255 = arith.constant 12 : i32
      %gt3A_256 = vector.broadcast %gt3A_255 : i32 to vector<16x23xi32>
      %gt3A_257 = arith.cmpi sgt, %iota3A, %gt3A_256 : vector<16x23xi32>
      %and3A_258 = arith.andi %eq3A_254, %gt3A_257 : vector<16x23xi1>
      %or3A_259 = arith.ori %gt3A_252, %and3A_258 : vector<16x23xi1>
      %convert_element_type3A_260 = arith.extui %or3A_259 : vector<16x23xi1> to vector<16x23xi32>
      %add3A_261 = arith.addi %add3A_249, %convert_element_type3A_260 : vector<16x23xi32>
      %slice3A_262 = vector.extract_strided_slice %concatenate3A {offsets = [0, 13], sizes = [16, 1], strides = [1, 1]} : vector<16x23xf32> to vector<16x1xf32>
      %gt3A_263 = vector.broadcast %slice3A_262 : vector<16x1xf32> to vector<16x23xf32>
      %gt3A_264 = arith.cmpf ogt, %gt3A_263, %concatenate3A : vector<16x23xf32>
      %eq3A_265 = vector.broadcast %slice3A_262 : vector<16x1xf32> to vector<16x23xf32>
      %eq3A_266 = arith.cmpf oeq, %eq3A_265, %concatenate3A : vector<16x23xf32>
      %gt3A_267 = arith.constant 13 : i32
      %gt3A_268 = vector.broadcast %gt3A_267 : i32 to vector<16x23xi32>
      %gt3A_269 = arith.cmpi sgt, %iota3A, %gt3A_268 : vector<16x23xi32>
      %and3A_270 = arith.andi %eq3A_266, %gt3A_269 : vector<16x23xi1>
      %or3A_271 = arith.ori %gt3A_264, %and3A_270 : vector<16x23xi1>
      %convert_element_type3A_272 = arith.extui %or3A_271 : vector<16x23xi1> to vector<16x23xi32>
      %add3A_273 = arith.addi %add3A_261, %convert_element_type3A_272 : vector<16x23xi32>
      %slice3A_274 = vector.extract_strided_slice %concatenate3A {offsets = [0, 14], sizes = [16, 1], strides = [1, 1]} : vector<16x23xf32> to vector<16x1xf32>
      %gt3A_275 = vector.broadcast %slice3A_274 : vector<16x1xf32> to vector<16x23xf32>
      %gt3A_276 = arith.cmpf ogt, %gt3A_275, %concatenate3A : vector<16x23xf32>
      %eq3A_277 = vector.broadcast %slice3A_274 : vector<16x1xf32> to vector<16x23xf32>
      %eq3A_278 = arith.cmpf oeq, %eq3A_277, %concatenate3A : vector<16x23xf32>
      %gt3A_279 = arith.constant 14 : i32
      %gt3A_280 = vector.broadcast %gt3A_279 : i32 to vector<16x23xi32>
      %gt3A_281 = arith.cmpi sgt, %iota3A, %gt3A_280 : vector<16x23xi32>
      %and3A_282 = arith.andi %eq3A_278, %gt3A_281 : vector<16x23xi1>
      %or3A_283 = arith.ori %gt3A_276, %and3A_282 : vector<16x23xi1>
      %convert_element_type3A_284 = arith.extui %or3A_283 : vector<16x23xi1> to vector<16x23xi32>
      %add3A_285 = arith.addi %add3A_273, %convert_element_type3A_284 : vector<16x23xi32>
      %slice3A_286 = vector.extract_strided_slice %concatenate3A {offsets = [0, 15], sizes = [16, 1], strides = [1, 1]} : vector<16x23xf32> to vector<16x1xf32>
      %gt3A_287 = vector.broadcast %slice3A_286 : vector<16x1xf32> to vector<16x23xf32>
      %gt3A_288 = arith.cmpf ogt, %gt3A_287, %concatenate3A : vector<16x23xf32>
      %eq3A_289 = vector.broadcast %slice3A_286 : vector<16x1xf32> to vector<16x23xf32>
      %eq3A_290 = arith.cmpf oeq, %eq3A_289, %concatenate3A : vector<16x23xf32>
      %gt3A_291 = arith.constant 15 : i32
      %gt3A_292 = vector.broadcast %gt3A_291 : i32 to vector<16x23xi32>
      %gt3A_293 = arith.cmpi sgt, %iota3A, %gt3A_292 : vector<16x23xi32>
      %and3A_294 = arith.andi %eq3A_290, %gt3A_293 : vector<16x23xi1>
      %or3A_295 = arith.ori %gt3A_288, %and3A_294 : vector<16x23xi1>
      %convert_element_type3A_296 = arith.extui %or3A_295 : vector<16x23xi1> to vector<16x23xi32>
      %add3A_297 = arith.addi %add3A_285, %convert_element_type3A_296 : vector<16x23xi32>
      %slice3A_298 = vector.extract_strided_slice %concatenate3A {offsets = [0, 16], sizes = [16, 1], strides = [1, 1]} : vector<16x23xf32> to vector<16x1xf32>
      %gt3A_299 = vector.broadcast %slice3A_298 : vector<16x1xf32> to vector<16x23xf32>
      %gt3A_300 = arith.cmpf ogt, %gt3A_299, %concatenate3A : vector<16x23xf32>
      %eq3A_301 = vector.broadcast %slice3A_298 : vector<16x1xf32> to vector<16x23xf32>
      %eq3A_302 = arith.cmpf oeq, %eq3A_301, %concatenate3A : vector<16x23xf32>
      %gt3A_303 = arith.constant 16 : i32
      %gt3A_304 = vector.broadcast %gt3A_303 : i32 to vector<16x23xi32>
      %gt3A_305 = arith.cmpi sgt, %iota3A, %gt3A_304 : vector<16x23xi32>
      %and3A_306 = arith.andi %eq3A_302, %gt3A_305 : vector<16x23xi1>
      %or3A_307 = arith.ori %gt3A_300, %and3A_306 : vector<16x23xi1>
      %convert_element_type3A_308 = arith.extui %or3A_307 : vector<16x23xi1> to vector<16x23xi32>
      %add3A_309 = arith.addi %add3A_297, %convert_element_type3A_308 : vector<16x23xi32>
      %slice3A_310 = vector.extract_strided_slice %concatenate3A {offsets = [0, 17], sizes = [16, 1], strides = [1, 1]} : vector<16x23xf32> to vector<16x1xf32>
      %gt3A_311 = vector.broadcast %slice3A_310 : vector<16x1xf32> to vector<16x23xf32>
      %gt3A_312 = arith.cmpf ogt, %gt3A_311, %concatenate3A : vector<16x23xf32>
      %eq3A_313 = vector.broadcast %slice3A_310 : vector<16x1xf32> to vector<16x23xf32>
      %eq3A_314 = arith.cmpf oeq, %eq3A_313, %concatenate3A : vector<16x23xf32>
      %gt3A_315 = arith.constant 17 : i32
      %gt3A_316 = vector.broadcast %gt3A_315 : i32 to vector<16x23xi32>
      %gt3A_317 = arith.cmpi sgt, %iota3A, %gt3A_316 : vector<16x23xi32>
      %and3A_318 = arith.andi %eq3A_314, %gt3A_317 : vector<16x23xi1>
      %or3A_319 = arith.ori %gt3A_312, %and3A_318 : vector<16x23xi1>
      %convert_element_type3A_320 = arith.extui %or3A_319 : vector<16x23xi1> to vector<16x23xi32>
      %add3A_321 = arith.addi %add3A_309, %convert_element_type3A_320 : vector<16x23xi32>
      %slice3A_322 = vector.extract_strided_slice %concatenate3A {offsets = [0, 18], sizes = [16, 1], strides = [1, 1]} : vector<16x23xf32> to vector<16x1xf32>
      %gt3A_323 = vector.broadcast %slice3A_322 : vector<16x1xf32> to vector<16x23xf32>
      %gt3A_324 = arith.cmpf ogt, %gt3A_323, %concatenate3A : vector<16x23xf32>
      %eq3A_325 = vector.broadcast %slice3A_322 : vector<16x1xf32> to vector<16x23xf32>
      %eq3A_326 = arith.cmpf oeq, %eq3A_325, %concatenate3A : vector<16x23xf32>
      %gt3A_327 = arith.constant 18 : i32
      %gt3A_328 = vector.broadcast %gt3A_327 : i32 to vector<16x23xi32>
      %gt3A_329 = arith.cmpi sgt, %iota3A, %gt3A_328 : vector<16x23xi32>
      %and3A_330 = arith.andi %eq3A_326, %gt3A_329 : vector<16x23xi1>
      %or3A_331 = arith.ori %gt3A_324, %and3A_330 : vector<16x23xi1>
      %convert_element_type3A_332 = arith.extui %or3A_331 : vector<16x23xi1> to vector<16x23xi32>
      %add3A_333 = arith.addi %add3A_321, %convert_element_type3A_332 : vector<16x23xi32>
      %slice3A_334 = vector.extract_strided_slice %concatenate3A {offsets = [0, 19], sizes = [16, 1], strides = [1, 1]} : vector<16x23xf32> to vector<16x1xf32>
      %gt3A_335 = vector.broadcast %slice3A_334 : vector<16x1xf32> to vector<16x23xf32>
      %gt3A_336 = arith.cmpf ogt, %gt3A_335, %concatenate3A : vector<16x23xf32>
      %eq3A_337 = vector.broadcast %slice3A_334 : vector<16x1xf32> to vector<16x23xf32>
      %eq3A_338 = arith.cmpf oeq, %eq3A_337, %concatenate3A : vector<16x23xf32>
      %gt3A_339 = arith.constant 19 : i32
      %gt3A_340 = vector.broadcast %gt3A_339 : i32 to vector<16x23xi32>
      %gt3A_341 = arith.cmpi sgt, %iota3A, %gt3A_340 : vector<16x23xi32>
      %and3A_342 = arith.andi %eq3A_338, %gt3A_341 : vector<16x23xi1>
      %or3A_343 = arith.ori %gt3A_336, %and3A_342 : vector<16x23xi1>
      %convert_element_type3A_344 = arith.extui %or3A_343 : vector<16x23xi1> to vector<16x23xi32>
      %add3A_345 = arith.addi %add3A_333, %convert_element_type3A_344 : vector<16x23xi32>
      %slice3A_346 = vector.extract_strided_slice %concatenate3A {offsets = [0, 20], sizes = [16, 1], strides = [1, 1]} : vector<16x23xf32> to vector<16x1xf32>
      %gt3A_347 = vector.broadcast %slice3A_346 : vector<16x1xf32> to vector<16x23xf32>
      %gt3A_348 = arith.cmpf ogt, %gt3A_347, %concatenate3A : vector<16x23xf32>
      %eq3A_349 = vector.broadcast %slice3A_346 : vector<16x1xf32> to vector<16x23xf32>
      %eq3A_350 = arith.cmpf oeq, %eq3A_349, %concatenate3A : vector<16x23xf32>
      %gt3A_351 = arith.constant 20 : i32
      %gt3A_352 = vector.broadcast %gt3A_351 : i32 to vector<16x23xi32>
      %gt3A_353 = arith.cmpi sgt, %iota3A, %gt3A_352 : vector<16x23xi32>
      %and3A_354 = arith.andi %eq3A_350, %gt3A_353 : vector<16x23xi1>
      %or3A_355 = arith.ori %gt3A_348, %and3A_354 : vector<16x23xi1>
      %convert_element_type3A_356 = arith.extui %or3A_355 : vector<16x23xi1> to vector<16x23xi32>
      %add3A_357 = arith.addi %add3A_345, %convert_element_type3A_356 : vector<16x23xi32>
      %slice3A_358 = vector.extract_strided_slice %concatenate3A {offsets = [0, 21], sizes = [16, 1], strides = [1, 1]} : vector<16x23xf32> to vector<16x1xf32>
      %gt3A_359 = vector.broadcast %slice3A_358 : vector<16x1xf32> to vector<16x23xf32>
      %gt3A_360 = arith.cmpf ogt, %gt3A_359, %concatenate3A : vector<16x23xf32>
      %eq3A_361 = vector.broadcast %slice3A_358 : vector<16x1xf32> to vector<16x23xf32>
      %eq3A_362 = arith.cmpf oeq, %eq3A_361, %concatenate3A : vector<16x23xf32>
      %gt3A_363 = arith.constant 21 : i32
      %gt3A_364 = vector.broadcast %gt3A_363 : i32 to vector<16x23xi32>
      %gt3A_365 = arith.cmpi sgt, %iota3A, %gt3A_364 : vector<16x23xi32>
      %and3A_366 = arith.andi %eq3A_362, %gt3A_365 : vector<16x23xi1>
      %or3A_367 = arith.ori %gt3A_360, %and3A_366 : vector<16x23xi1>
      %convert_element_type3A_368 = arith.extui %or3A_367 : vector<16x23xi1> to vector<16x23xi32>
      %add3A_369 = arith.addi %add3A_357, %convert_element_type3A_368 : vector<16x23xi32>
      %slice3A_370 = vector.extract_strided_slice %concatenate3A {offsets = [0, 22], sizes = [16, 1], strides = [1, 1]} : vector<16x23xf32> to vector<16x1xf32>
      %gt3A_371 = vector.broadcast %slice3A_370 : vector<16x1xf32> to vector<16x23xf32>
      %gt3A_372 = arith.cmpf ogt, %gt3A_371, %concatenate3A : vector<16x23xf32>
      %eq3A_373 = vector.broadcast %slice3A_370 : vector<16x1xf32> to vector<16x23xf32>
      %eq3A_374 = arith.cmpf oeq, %eq3A_373, %concatenate3A : vector<16x23xf32>
      %gt3A_375 = arith.constant 22 : i32
      %gt3A_376 = vector.broadcast %gt3A_375 : i32 to vector<16x23xi32>
      %gt3A_377 = arith.cmpi sgt, %iota3A, %gt3A_376 : vector<16x23xi32>
      %and3A_378 = arith.andi %eq3A_374, %gt3A_377 : vector<16x23xi1>
      %or3A_379 = arith.ori %gt3A_372, %and3A_378 : vector<16x23xi1>
      %convert_element_type3A_380 = arith.extui %or3A_379 : vector<16x23xi1> to vector<16x23xi32>
      %add3A_381 = arith.addi %add3A_369, %convert_element_type3A_380 : vector<16x23xi32>
      %lt3A = arith.constant 4 : i32
      %lt3A_382 = vector.broadcast %lt3A : i32 to vector<16x23xi32>
      %lt3A_383 = arith.cmpi slt, %add3A_381, %lt3A_382 : vector<16x23xi32>
      %convert_element_type3A_384 = arith.extui %lt3A_383 : vector<16x23xi1> to vector<16x23xi32>
      %broadcast_in_dim3A_385 = arith.constant 0 : i32
      %broadcast_in_dim3A_386 = vector.broadcast %broadcast_in_dim3A_385 : i32 to vector<16x1xi32>
      %slice3A_387 = vector.extract_strided_slice %convert_element_type3A_384 {offsets = [0, 0], sizes = [16, 1], strides = [1, 1]} : vector<16x23xi32> to vector<16x1xi32>
      %add3A_388 = arith.addi %broadcast_in_dim3A_386, %slice3A_387 : vector<16x1xi32>
      %slice3A_389 = vector.extract_strided_slice %convert_element_type3A_384 {offsets = [0, 1], sizes = [16, 1], strides = [1, 1]} : vector<16x23xi32> to vector<16x1xi32>
      %add3A_390 = arith.addi %add3A_388, %slice3A_389 : vector<16x1xi32>
      %slice3A_391 = vector.extract_strided_slice %convert_element_type3A_384 {offsets = [0, 2], sizes = [16, 1], strides = [1, 1]} : vector<16x23xi32> to vector<16x1xi32>
      %add3A_392 = arith.addi %add3A_390, %slice3A_391 : vector<16x1xi32>
      %slice3A_393 = vector.extract_strided_slice %convert_element_type3A_384 {offsets = [0, 3], sizes = [16, 1], strides = [1, 1]} : vector<16x23xi32> to vector<16x1xi32>
      %add3A_394 = arith.addi %add3A_392, %slice3A_393 : vector<16x1xi32>
      %slice3A_395 = vector.extract_strided_slice %convert_element_type3A_384 {offsets = [0, 4], sizes = [16, 1], strides = [1, 1]} : vector<16x23xi32> to vector<16x1xi32>
      %add3A_396 = arith.addi %add3A_394, %slice3A_395 : vector<16x1xi32>
      %slice3A_397 = vector.extract_strided_slice %convert_element_type3A_384 {offsets = [0, 5], sizes = [16, 1], strides = [1, 1]} : vector<16x23xi32> to vector<16x1xi32>
      %add3A_398 = arith.addi %add3A_396, %slice3A_397 : vector<16x1xi32>
      %slice3A_399 = vector.extract_strided_slice %convert_element_type3A_384 {offsets = [0, 6], sizes = [16, 1], strides = [1, 1]} : vector<16x23xi32> to vector<16x1xi32>
      %add3A_400 = arith.addi %add3A_398, %slice3A_399 : vector<16x1xi32>
      %slice3A_401 = vector.extract_strided_slice %convert_element_type3A_384 {offsets = [0, 7], sizes = [16, 1], strides = [1, 1]} : vector<16x23xi32> to vector<16x1xi32>
      %add3A_402 = arith.addi %add3A_400, %slice3A_401 : vector<16x1xi32>
      %slice3A_403 = vector.extract_strided_slice %convert_element_type3A_384 {offsets = [0, 8], sizes = [16, 1], strides = [1, 1]} : vector<16x23xi32> to vector<16x1xi32>
      %add3A_404 = arith.addi %add3A_402, %slice3A_403 : vector<16x1xi32>
      %slice3A_405 = vector.extract_strided_slice %convert_element_type3A_384 {offsets = [0, 9], sizes = [16, 1], strides = [1, 1]} : vector<16x23xi32> to vector<16x1xi32>
      %add3A_406 = arith.addi %add3A_404, %slice3A_405 : vector<16x1xi32>
      %slice3A_407 = vector.extract_strided_slice %convert_element_type3A_384 {offsets = [0, 10], sizes = [16, 1], strides = [1, 1]} : vector<16x23xi32> to vector<16x1xi32>
      %add3A_408 = arith.addi %add3A_406, %slice3A_407 : vector<16x1xi32>
      %slice3A_409 = vector.extract_strided_slice %convert_element_type3A_384 {offsets = [0, 11], sizes = [16, 1], strides = [1, 1]} : vector<16x23xi32> to vector<16x1xi32>
      %add3A_410 = arith.addi %add3A_408, %slice3A_409 : vector<16x1xi32>
      %slice3A_411 = vector.extract_strided_slice %convert_element_type3A_384 {offsets = [0, 12], sizes = [16, 1], strides = [1, 1]} : vector<16x23xi32> to vector<16x1xi32>
      %add3A_412 = arith.addi %add3A_410, %slice3A_411 : vector<16x1xi32>
      %slice3A_413 = vector.extract_strided_slice %convert_element_type3A_384 {offsets = [0, 13], sizes = [16, 1], strides = [1, 1]} : vector<16x23xi32> to vector<16x1xi32>
      %add3A_414 = arith.addi %add3A_412, %slice3A_413 : vector<16x1xi32>
      %slice3A_415 = vector.extract_strided_slice %convert_element_type3A_384 {offsets = [0, 14], sizes = [16, 1], strides = [1, 1]} : vector<16x23xi32> to vector<16x1xi32>
      %add3A_416 = arith.addi %add3A_414, %slice3A_415 : vector<16x1xi32>
      %slice3A_417 = vector.extract_strided_slice %convert_element_type3A_384 {offsets = [0, 15], sizes = [16, 1], strides = [1, 1]} : vector<16x23xi32> to vector<16x1xi32>
      %add3A_418 = arith.addi %add3A_416, %slice3A_417 : vector<16x1xi32>
      %slice3A_419 = vector.extract_strided_slice %convert_element_type3A_384 {offsets = [0, 16], sizes = [16, 1], strides = [1, 1]} : vector<16x23xi32> to vector<16x1xi32>
      %add3A_420 = arith.addi %add3A_418, %slice3A_419 : vector<16x1xi32>
      %slice3A_421 = vector.extract_strided_slice %convert_element_type3A_384 {offsets = [0, 17], sizes = [16, 1], strides = [1, 1]} : vector<16x23xi32> to vector<16x1xi32>
      %add3A_422 = arith.addi %add3A_420, %slice3A_421 : vector<16x1xi32>
      %slice3A_423 = vector.extract_strided_slice %convert_element_type3A_384 {offsets = [0, 18], sizes = [16, 1], strides = [1, 1]} : vector<16x23xi32> to vector<16x1xi32>
      %add3A_424 = arith.addi %add3A_422, %slice3A_423 : vector<16x1xi32>
      %slice3A_425 = vector.extract_strided_slice %convert_element_type3A_384 {offsets = [0, 19], sizes = [16, 1], strides = [1, 1]} : vector<16x23xi32> to vector<16x1xi32>
      %add3A_426 = arith.addi %add3A_424, %slice3A_425 : vector<16x1xi32>
      %slice3A_427 = vector.extract_strided_slice %convert_element_type3A_384 {offsets = [0, 20], sizes = [16, 1], strides = [1, 1]} : vector<16x23xi32> to vector<16x1xi32>
      %add3A_428 = arith.addi %add3A_426, %slice3A_427 : vector<16x1xi32>
      %slice3A_429 = vector.extract_strided_slice %convert_element_type3A_384 {offsets = [0, 21], sizes = [16, 1], strides = [1, 1]} : vector<16x23xi32> to vector<16x1xi32>
      %add3A_430 = arith.addi %add3A_428, %slice3A_429 : vector<16x1xi32>
      %concatenate3A_431 = tpu.concatenate %broadcast_in_dim3A_386, %add3A_388, %add3A_390, %add3A_392, %add3A_394, %add3A_396, %add3A_398, %add3A_400, %add3A_402, %add3A_404, %add3A_406, %add3A_408, %add3A_410, %add3A_412, %add3A_414, %add3A_416, %add3A_418, %add3A_420, %add3A_422, %add3A_424, %add3A_426, %add3A_428, %add3A_430 in 1 : vector<16x1xi32>, vector<16x1xi32>, vector<16x1xi32>, vector<16x1xi32>, vector<16x1xi32>, vector<16x1xi32>, vector<16x1xi32>, vector<16x1xi32>, vector<16x1xi32>, vector<16x1xi32>, vector<16x1xi32>, vector<16x1xi32>, vector<16x1xi32>, vector<16x1xi32>, vector<16x1xi32>, vector<16x1xi32>, vector<16x1xi32>, vector<16x1xi32>, vector<16x1xi32>, vector<16x1xi32>, vector<16x1xi32>, vector<16x1xi32>, vector<16x1xi32> -> vector<16x23xi32>
      %eq3A_432 = arith.constant 0 : i32
      %eq3A_433 = vector.broadcast %eq3A_432 : i32 to vector<16x23xi32>
      %eq3A_434 = arith.cmpi eq, %concatenate3A_431, %eq3A_433 : vector<16x23xi32>
      %and3A_435 = arith.andi %lt3A_383, %eq3A_434 : vector<16x23xi1>
      %jit3A = arith.constant 0 : i32
      %broadcast_in_dim3A_436 = vector.broadcast %jit3A : i32 to vector<16x23xi32>
      %select_n3A = arith.select %and3A_435, %iota3A, %broadcast_in_dim3A_436 : vector<16x23xi1>, vector<16x23xi32>
      %reduce_sum3A_437 = arith.constant dense<0> : vector<16xi32>
      %reduce_sum3A_438 = vector.multi_reduction <add>, %select_n3A, %reduce_sum3A_437 [1] : vector<16x23xi32> to vector<16xi32>
      %broadcast_in_dim3A_439 = vector.shape_cast %reduce_sum3A_438 : vector<16xi32> to vector<16x1xi32>
      %eq3A_440 = arith.constant 1 : i32
      %eq3A_441 = vector.broadcast %eq3A_440 : i32 to vector<16x23xi32>
      %eq3A_442 = arith.cmpi eq, %concatenate3A_431, %eq3A_441 : vector<16x23xi32>
      %and3A_443 = arith.andi %lt3A_383, %eq3A_442 : vector<16x23xi1>
      %jit3A_444 = arith.constant 0 : i32
      %broadcast_in_dim3A_445 = vector.broadcast %jit3A_444 : i32 to vector<16x23xi32>
      %select_n3A_446 = arith.select %and3A_443, %iota3A, %broadcast_in_dim3A_445 : vector<16x23xi1>, vector<16x23xi32>
      %reduce_sum3A_447 = arith.constant dense<0> : vector<16xi32>
      %reduce_sum3A_448 = vector.multi_reduction <add>, %select_n3A_446, %reduce_sum3A_447 [1] : vector<16x23xi32> to vector<16xi32>
      %broadcast_in_dim3A_449 = vector.shape_cast %reduce_sum3A_448 : vector<16xi32> to vector<16x1xi32>
      %eq3A_450 = arith.constant 2 : i32
      %eq3A_451 = vector.broadcast %eq3A_450 : i32 to vector<16x23xi32>
      %eq3A_452 = arith.cmpi eq, %concatenate3A_431, %eq3A_451 : vector<16x23xi32>
      %and3A_453 = arith.andi %lt3A_383, %eq3A_452 : vector<16x23xi1>
      %jit3A_454 = arith.constant 0 : i32
      %broadcast_in_dim3A_455 = vector.broadcast %jit3A_454 : i32 to vector<16x23xi32>
      %select_n3A_456 = arith.select %and3A_453, %iota3A, %broadcast_in_dim3A_455 : vector<16x23xi1>, vector<16x23xi32>
      %reduce_sum3A_457 = arith.constant dense<0> : vector<16xi32>
      %reduce_sum3A_458 = vector.multi_reduction <add>, %select_n3A_456, %reduce_sum3A_457 [1] : vector<16x23xi32> to vector<16xi32>
      %broadcast_in_dim3A_459 = vector.shape_cast %reduce_sum3A_458 : vector<16xi32> to vector<16x1xi32>
      %eq3A_460 = arith.constant 3 : i32
      %eq3A_461 = vector.broadcast %eq3A_460 : i32 to vector<16x23xi32>
      %eq3A_462 = arith.cmpi eq, %concatenate3A_431, %eq3A_461 : vector<16x23xi32>
      %and3A_463 = arith.andi %lt3A_383, %eq3A_462 : vector<16x23xi1>
      %jit3A_464 = arith.constant 0 : i32
      %broadcast_in_dim3A_465 = vector.broadcast %jit3A_464 : i32 to vector<16x23xi32>
      %select_n3A_466 = arith.select %and3A_463, %iota3A, %broadcast_in_dim3A_465 : vector<16x23xi1>, vector<16x23xi32>
      %reduce_sum3A_467 = arith.constant dense<0> : vector<16xi32>
      %reduce_sum3A_468 = vector.multi_reduction <add>, %select_n3A_466, %reduce_sum3A_467 [1] : vector<16x23xi32> to vector<16xi32>
      %broadcast_in_dim3A_469 = vector.shape_cast %reduce_sum3A_468 : vector<16xi32> to vector<16x1xi32>
      %mul3A = arith.constant 32 : i32
      %mul3A_470 = vector.broadcast %mul3A : i32 to vector<16x1xi32>
      %mul3A_471 = arith.muli %broadcast_in_dim3A_449, %mul3A_470 : vector<16x1xi32>
      %add3A_472 = arith.addi %broadcast_in_dim3A_439, %mul3A_471 : vector<16x1xi32>
      %mul3A_473 = arith.constant 1024 : i32
      %mul3A_474 = vector.broadcast %mul3A_473 : i32 to vector<16x1xi32>
      %mul3A_475 = arith.muli %broadcast_in_dim3A_459, %mul3A_474 : vector<16x1xi32>
      %add3A_476 = arith.addi %add3A_472, %mul3A_475 : vector<16x1xi32>
      %mul3A_477 = arith.constant 32768 : i32
      %mul3A_478 = vector.broadcast %mul3A_477 : i32 to vector<16x1xi32>
      %mul3A_479 = arith.muli %broadcast_in_dim3A_469, %mul3A_478 : vector<16x1xi32>
      %add3A_480 = arith.addi %add3A_476, %mul3A_479 : vector<16x1xi32>
      %iota3A_481 = tpu.iota {dimensions = array<i32: 0>} : vector<32x4x104xi32>
      %iota3A_482 = tpu.iota {dimensions = array<i32: 1>} : vector<32x4x104xi32>
      %iota3A_483 = tpu.iota {dimensions = array<i32: 2>} : vector<32x4x104xi32>
      %mul3A_484 = arith.constant 4 : i32
      %mul3A_485 = vector.broadcast %mul3A_484 : i32 to vector<32x4x104xi32>
      %mul3A_486 = arith.muli %iota3A_481, %mul3A_485 : vector<32x4x104xi32>
      %add3A_487 = arith.addi %mul3A_486, %iota3A_482 : vector<32x4x104xi32>
      %jit3A_488 = arith.constant 8 : i32
      %div3A = vector.broadcast %jit3A_488 : i32 to vector<32x4x104xi32>
      %div3A_489 = arith.divsi %add3A_487, %div3A : vector<32x4x104xi32>
      %sign3A = arith.constant 0 : i32
      %sign3A_490 = vector.broadcast %sign3A : i32 to vector<32x4x104xi32>
      %sign3A_491 = arith.cmpi sgt, %add3A_487, %sign3A_490 : vector<32x4x104xi32>
      %sign3A_492 = arith.extui %sign3A_491 : vector<32x4x104xi1> to vector<32x4x104xi32>
      %sign3A_493 = arith.constant 0 : i32
      %sign3A_494 = vector.broadcast %sign3A_493 : i32 to vector<32x4x104xi32>
      %sign3A_495 = arith.cmpi slt, %add3A_487, %sign3A_494 : vector<32x4x104xi32>
      %sign3A_496 = arith.extui %sign3A_495 : vector<32x4x104xi1> to vector<32x4x104xi32>
      %sign3A_497 = arith.subi %sign3A_492, %sign3A_496 : vector<32x4x104xi32>
      %sign3A_498 = arith.constant 0 : i32
      %sign3A_499 = arith.cmpi sgt, %jit3A_488, %sign3A_498 : i32
      %sign3A_500 = arith.extui %sign3A_499 : i1 to i32
      %sign3A_501 = arith.constant 0 : i32
      %sign3A_502 = arith.cmpi slt, %jit3A_488, %sign3A_501 : i32
      %sign3A_503 = arith.extui %sign3A_502 : i1 to i32
      %sign3A_504 = arith.subi %sign3A_500, %sign3A_503 : i32
      %ne3A = vector.broadcast %sign3A_504 : i32 to vector<32x4x104xi32>
      %ne3A_505 = arith.cmpi ne, %sign3A_497, %ne3A : vector<32x4x104xi32>
      %rem3A = vector.broadcast %jit3A_488 : i32 to vector<32x4x104xi32>
      %rem3A_506 = arith.remsi %add3A_487, %rem3A : vector<32x4x104xi32>
      %ne3A_507 = arith.constant 0 : i32
      %ne3A_508 = vector.broadcast %ne3A_507 : i32 to vector<32x4x104xi32>
      %ne3A_509 = arith.cmpi ne, %rem3A_506, %ne3A_508 : vector<32x4x104xi32>
      %and3A_510 = arith.andi %ne3A_505, %ne3A_509 : vector<32x4x104xi1>
      %sub3A = arith.constant 1 : i32
      %sub3A_511 = vector.broadcast %sub3A : i32 to vector<32x4x104xi32>
      %sub3A_512 = arith.subi %div3A_489, %sub3A_511 : vector<32x4x104xi32>
      %select_n3A_513 = arith.select %and3A_510, %sub3A_512, %div3A_489 : vector<32x4x104xi1>, vector<32x4x104xi32>
      %jit3A_514 = arith.constant 8 : i32
      %eq3A_515 = arith.constant 0 : i32
      %eq3A_516 = arith.cmpi eq, %jit3A_514, %eq3A_515 : i32
      %jit3A_517 = arith.constant 1 : i32
      %select_n3A_518 = arith.select %eq3A_516, %jit3A_517, %jit3A_514 : i32
      %rem3A_519 = vector.broadcast %select_n3A_518 : i32 to vector<32x4x104xi32>
      %rem3A_520 = arith.remsi %add3A_487, %rem3A_519 : vector<32x4x104xi32>
      %ne3A_521 = arith.constant 0 : i32
      %ne3A_522 = vector.broadcast %ne3A_521 : i32 to vector<32x4x104xi32>
      %ne3A_523 = arith.cmpi ne, %rem3A_520, %ne3A_522 : vector<32x4x104xi32>
      %lt3A_524 = arith.constant 0 : i32
      %lt3A_525 = vector.broadcast %lt3A_524 : i32 to vector<32x4x104xi32>
      %lt3A_526 = arith.cmpi slt, %rem3A_520, %lt3A_525 : vector<32x4x104xi32>
      %lt3A_527 = arith.constant 0 : i32
      %lt3A_528 = arith.cmpi slt, %select_n3A_518, %lt3A_527 : i32
      %ne3A_529 = vector.broadcast %lt3A_528 : i1 to vector<32x4x104xi1>
      %ne3A_530 = vector.broadcast %ne3A_529 : vector<32x4x104xi1> to vector<32x4x104xi1>
      %ne3A_531 = arith.xori %lt3A_526, %ne3A_530 : vector<32x4x104xi1>
      %and3A_532 = arith.andi %ne3A_531, %ne3A_523 : vector<32x4x104xi1>
      %add3A_533 = vector.broadcast %select_n3A_518 : i32 to vector<32x4x104xi32>
      %add3A_534 = arith.addi %rem3A_520, %add3A_533 : vector<32x4x104xi32>
      %select_n3A_535 = arith.select %and3A_532, %add3A_534, %rem3A_520 : vector<32x4x104xi1>, vector<32x4x104xi32>
      %mul3A_536 = arith.constant 104 : i32
      %mul3A_537 = vector.broadcast %mul3A_536 : i32 to vector<32x4x104xi32>
      %mul3A_538 = arith.muli %select_n3A_535, %mul3A_537 : vector<32x4x104xi32>
      %add3A_539 = arith.addi %mul3A_538, %iota3A_483 : vector<32x4x104xi32>
      %eq3A_540 = arith.constant 0 : i32
      %eq3A_541 = vector.broadcast %eq3A_540 : i32 to vector<32x4x104xi32>
      %eq3A_542 = arith.cmpi eq, %select_n3A_513, %eq3A_541 : vector<32x4x104xi32>
      %jit3A_543 = arith.constant 1 : i32
      %jit3A_544 = arith.constant 0 : i32
      %broadcast_in_dim3A_545 = vector.broadcast %jit3A_543 : i32 to vector<32x4x104xi32>
      %broadcast_in_dim3A_546 = vector.broadcast %jit3A_544 : i32 to vector<32x4x104xi32>
      %select_n3A_547 = arith.select %eq3A_542, %broadcast_in_dim3A_545, %broadcast_in_dim3A_546 : vector<32x4x104xi1>, vector<32x4x104xi32>
      %slice3A_548 = vector.extract_strided_slice %add3A_480 {offsets = [0, 0], sizes = [1, 1], strides = [1, 1]} : vector<16x1xi32> to vector<1x1xi32>
      %reshape3A = vector.shape_cast %slice3A_548 : vector<1x1xi32> to vector<1x1x1xi32>
      %mul3A_549 = vector.broadcast %reshape3A : vector<1x1x1xi32> to vector<32x4x104xi32>
      %mul3A_550 = arith.muli %select_n3A_547, %mul3A_549 : vector<32x4x104xi32>
      %add3A_551 = arith.constant 0 : i32
      %add3A_552 = vector.broadcast %add3A_551 : i32 to vector<32x4x104xi32>
      %add3A_553 = arith.addi %add3A_552, %mul3A_550 : vector<32x4x104xi32>
      %eq3A_554 = arith.constant 1 : i32
      %eq3A_555 = vector.broadcast %eq3A_554 : i32 to vector<32x4x104xi32>
      %eq3A_556 = arith.cmpi eq, %select_n3A_513, %eq3A_555 : vector<32x4x104xi32>
      %jit3A_557 = arith.constant 1 : i32
      %jit3A_558 = arith.constant 0 : i32
      %broadcast_in_dim3A_559 = vector.broadcast %jit3A_557 : i32 to vector<32x4x104xi32>
      %broadcast_in_dim3A_560 = vector.broadcast %jit3A_558 : i32 to vector<32x4x104xi32>
      %select_n3A_561 = arith.select %eq3A_556, %broadcast_in_dim3A_559, %broadcast_in_dim3A_560 : vector<32x4x104xi1>, vector<32x4x104xi32>
      %slice3A_562 = vector.extract_strided_slice %add3A_480 {offsets = [1, 0], sizes = [1, 1], strides = [1, 1]} : vector<16x1xi32> to vector<1x1xi32>
      %reshape3A_563 = vector.shape_cast %slice3A_562 : vector<1x1xi32> to vector<1x1x1xi32>
      %mul3A_564 = vector.broadcast %reshape3A_563 : vector<1x1x1xi32> to vector<32x4x104xi32>
      %mul3A_565 = arith.muli %select_n3A_561, %mul3A_564 : vector<32x4x104xi32>
      %add3A_566 = arith.addi %add3A_553, %mul3A_565 : vector<32x4x104xi32>
      %eq3A_567 = arith.constant 2 : i32
      %eq3A_568 = vector.broadcast %eq3A_567 : i32 to vector<32x4x104xi32>
      %eq3A_569 = arith.cmpi eq, %select_n3A_513, %eq3A_568 : vector<32x4x104xi32>
      %jit3A_570 = arith.constant 1 : i32
      %jit3A_571 = arith.constant 0 : i32
      %broadcast_in_dim3A_572 = vector.broadcast %jit3A_570 : i32 to vector<32x4x104xi32>
      %broadcast_in_dim3A_573 = vector.broadcast %jit3A_571 : i32 to vector<32x4x104xi32>
      %select_n3A_574 = arith.select %eq3A_569, %broadcast_in_dim3A_572, %broadcast_in_dim3A_573 : vector<32x4x104xi1>, vector<32x4x104xi32>
      %slice3A_575 = vector.extract_strided_slice %add3A_480 {offsets = [2, 0], sizes = [1, 1], strides = [1, 1]} : vector<16x1xi32> to vector<1x1xi32>
      %reshape3A_576 = vector.shape_cast %slice3A_575 : vector<1x1xi32> to vector<1x1x1xi32>
      %mul3A_577 = vector.broadcast %reshape3A_576 : vector<1x1x1xi32> to vector<32x4x104xi32>
      %mul3A_578 = arith.muli %select_n3A_574, %mul3A_577 : vector<32x4x104xi32>
      %add3A_579 = arith.addi %add3A_566, %mul3A_578 : vector<32x4x104xi32>
      %eq3A_580 = arith.constant 3 : i32
      %eq3A_581 = vector.broadcast %eq3A_580 : i32 to vector<32x4x104xi32>
      %eq3A_582 = arith.cmpi eq, %select_n3A_513, %eq3A_581 : vector<32x4x104xi32>
      %jit3A_583 = arith.constant 1 : i32
      %jit3A_584 = arith.constant 0 : i32
      %broadcast_in_dim3A_585 = vector.broadcast %jit3A_583 : i32 to vector<32x4x104xi32>
      %broadcast_in_dim3A_586 = vector.broadcast %jit3A_584 : i32 to vector<32x4x104xi32>
      %select_n3A_587 = arith.select %eq3A_582, %broadcast_in_dim3A_585, %broadcast_in_dim3A_586 : vector<32x4x104xi1>, vector<32x4x104xi32>
      %slice3A_588 = vector.extract_strided_slice %add3A_480 {offsets = [3, 0], sizes = [1, 1], strides = [1, 1]} : vector<16x1xi32> to vector<1x1xi32>
      %reshape3A_589 = vector.shape_cast %slice3A_588 : vector<1x1xi32> to vector<1x1x1xi32>
      %mul3A_590 = vector.broadcast %reshape3A_589 : vector<1x1x1xi32> to vector<32x4x104xi32>
      %mul3A_591 = arith.muli %select_n3A_587, %mul3A_590 : vector<32x4x104xi32>
      %add3A_592 = arith.addi %add3A_579, %mul3A_591 : vector<32x4x104xi32>
      %eq3A_593 = arith.constant 4 : i32
      %eq3A_594 = vector.broadcast %eq3A_593 : i32 to vector<32x4x104xi32>
      %eq3A_595 = arith.cmpi eq, %select_n3A_513, %eq3A_594 : vector<32x4x104xi32>
      %jit3A_596 = arith.constant 1 : i32
      %jit3A_597 = arith.constant 0 : i32
      %broadcast_in_dim3A_598 = vector.broadcast %jit3A_596 : i32 to vector<32x4x104xi32>
      %broadcast_in_dim3A_599 = vector.broadcast %jit3A_597 : i32 to vector<32x4x104xi32>
      %select_n3A_600 = arith.select %eq3A_595, %broadcast_in_dim3A_598, %broadcast_in_dim3A_599 : vector<32x4x104xi1>, vector<32x4x104xi32>
      %slice3A_601 = vector.extract_strided_slice %add3A_480 {offsets = [4, 0], sizes = [1, 1], strides = [1, 1]} : vector<16x1xi32> to vector<1x1xi32>
      %reshape3A_602 = vector.shape_cast %slice3A_601 : vector<1x1xi32> to vector<1x1x1xi32>
      %mul3A_603 = vector.broadcast %reshape3A_602 : vector<1x1x1xi32> to vector<32x4x104xi32>
      %mul3A_604 = arith.muli %select_n3A_600, %mul3A_603 : vector<32x4x104xi32>
      %add3A_605 = arith.addi %add3A_592, %mul3A_604 : vector<32x4x104xi32>
      %eq3A_606 = arith.constant 5 : i32
      %eq3A_607 = vector.broadcast %eq3A_606 : i32 to vector<32x4x104xi32>
      %eq3A_608 = arith.cmpi eq, %select_n3A_513, %eq3A_607 : vector<32x4x104xi32>
      %jit3A_609 = arith.constant 1 : i32
      %jit3A_610 = arith.constant 0 : i32
      %broadcast_in_dim3A_611 = vector.broadcast %jit3A_609 : i32 to vector<32x4x104xi32>
      %broadcast_in_dim3A_612 = vector.broadcast %jit3A_610 : i32 to vector<32x4x104xi32>
      %select_n3A_613 = arith.select %eq3A_608, %broadcast_in_dim3A_611, %broadcast_in_dim3A_612 : vector<32x4x104xi1>, vector<32x4x104xi32>
      %slice3A_614 = vector.extract_strided_slice %add3A_480 {offsets = [5, 0], sizes = [1, 1], strides = [1, 1]} : vector<16x1xi32> to vector<1x1xi32>
      %reshape3A_615 = vector.shape_cast %slice3A_614 : vector<1x1xi32> to vector<1x1x1xi32>
      %mul3A_616 = vector.broadcast %reshape3A_615 : vector<1x1x1xi32> to vector<32x4x104xi32>
      %mul3A_617 = arith.muli %select_n3A_613, %mul3A_616 : vector<32x4x104xi32>
      %add3A_618 = arith.addi %add3A_605, %mul3A_617 : vector<32x4x104xi32>
      %eq3A_619 = arith.constant 6 : i32
      %eq3A_620 = vector.broadcast %eq3A_619 : i32 to vector<32x4x104xi32>
      %eq3A_621 = arith.cmpi eq, %select_n3A_513, %eq3A_620 : vector<32x4x104xi32>
      %jit3A_622 = arith.constant 1 : i32
      %jit3A_623 = arith.constant 0 : i32
      %broadcast_in_dim3A_624 = vector.broadcast %jit3A_622 : i32 to vector<32x4x104xi32>
      %broadcast_in_dim3A_625 = vector.broadcast %jit3A_623 : i32 to vector<32x4x104xi32>
      %select_n3A_626 = arith.select %eq3A_621, %broadcast_in_dim3A_624, %broadcast_in_dim3A_625 : vector<32x4x104xi1>, vector<32x4x104xi32>
      %slice3A_627 = vector.extract_strided_slice %add3A_480 {offsets = [6, 0], sizes = [1, 1], strides = [1, 1]} : vector<16x1xi32> to vector<1x1xi32>
      %reshape3A_628 = vector.shape_cast %slice3A_627 : vector<1x1xi32> to vector<1x1x1xi32>
      %mul3A_629 = vector.broadcast %reshape3A_628 : vector<1x1x1xi32> to vector<32x4x104xi32>
      %mul3A_630 = arith.muli %select_n3A_626, %mul3A_629 : vector<32x4x104xi32>
      %add3A_631 = arith.addi %add3A_618, %mul3A_630 : vector<32x4x104xi32>
      %eq3A_632 = arith.constant 7 : i32
      %eq3A_633 = vector.broadcast %eq3A_632 : i32 to vector<32x4x104xi32>
      %eq3A_634 = arith.cmpi eq, %select_n3A_513, %eq3A_633 : vector<32x4x104xi32>
      %jit3A_635 = arith.constant 1 : i32
      %jit3A_636 = arith.constant 0 : i32
      %broadcast_in_dim3A_637 = vector.broadcast %jit3A_635 : i32 to vector<32x4x104xi32>
      %broadcast_in_dim3A_638 = vector.broadcast %jit3A_636 : i32 to vector<32x4x104xi32>
      %select_n3A_639 = arith.select %eq3A_634, %broadcast_in_dim3A_637, %broadcast_in_dim3A_638 : vector<32x4x104xi1>, vector<32x4x104xi32>
      %slice3A_640 = vector.extract_strided_slice %add3A_480 {offsets = [7, 0], sizes = [1, 1], strides = [1, 1]} : vector<16x1xi32> to vector<1x1xi32>
      %reshape3A_641 = vector.shape_cast %slice3A_640 : vector<1x1xi32> to vector<1x1x1xi32>
      %mul3A_642 = vector.broadcast %reshape3A_641 : vector<1x1x1xi32> to vector<32x4x104xi32>
      %mul3A_643 = arith.muli %select_n3A_639, %mul3A_642 : vector<32x4x104xi32>
      %add3A_644 = arith.addi %add3A_631, %mul3A_643 : vector<32x4x104xi32>
      %eq3A_645 = arith.constant 8 : i32
      %eq3A_646 = vector.broadcast %eq3A_645 : i32 to vector<32x4x104xi32>
      %eq3A_647 = arith.cmpi eq, %select_n3A_513, %eq3A_646 : vector<32x4x104xi32>
      %jit3A_648 = arith.constant 1 : i32
      %jit3A_649 = arith.constant 0 : i32
      %broadcast_in_dim3A_650 = vector.broadcast %jit3A_648 : i32 to vector<32x4x104xi32>
      %broadcast_in_dim3A_651 = vector.broadcast %jit3A_649 : i32 to vector<32x4x104xi32>
      %select_n3A_652 = arith.select %eq3A_647, %broadcast_in_dim3A_650, %broadcast_in_dim3A_651 : vector<32x4x104xi1>, vector<32x4x104xi32>
      %slice3A_653 = vector.extract_strided_slice %add3A_480 {offsets = [8, 0], sizes = [1, 1], strides = [1, 1]} : vector<16x1xi32> to vector<1x1xi32>
      %reshape3A_654 = vector.shape_cast %slice3A_653 : vector<1x1xi32> to vector<1x1x1xi32>
      %mul3A_655 = vector.broadcast %reshape3A_654 : vector<1x1x1xi32> to vector<32x4x104xi32>
      %mul3A_656 = arith.muli %select_n3A_652, %mul3A_655 : vector<32x4x104xi32>
      %add3A_657 = arith.addi %add3A_644, %mul3A_656 : vector<32x4x104xi32>
      %eq3A_658 = arith.constant 9 : i32
      %eq3A_659 = vector.broadcast %eq3A_658 : i32 to vector<32x4x104xi32>
      %eq3A_660 = arith.cmpi eq, %select_n3A_513, %eq3A_659 : vector<32x4x104xi32>
      %jit3A_661 = arith.constant 1 : i32
      %jit3A_662 = arith.constant 0 : i32
      %broadcast_in_dim3A_663 = vector.broadcast %jit3A_661 : i32 to vector<32x4x104xi32>
      %broadcast_in_dim3A_664 = vector.broadcast %jit3A_662 : i32 to vector<32x4x104xi32>
      %select_n3A_665 = arith.select %eq3A_660, %broadcast_in_dim3A_663, %broadcast_in_dim3A_664 : vector<32x4x104xi1>, vector<32x4x104xi32>
      %slice3A_666 = vector.extract_strided_slice %add3A_480 {offsets = [9, 0], sizes = [1, 1], strides = [1, 1]} : vector<16x1xi32> to vector<1x1xi32>
      %reshape3A_667 = vector.shape_cast %slice3A_666 : vector<1x1xi32> to vector<1x1x1xi32>
      %mul3A_668 = vector.broadcast %reshape3A_667 : vector<1x1x1xi32> to vector<32x4x104xi32>
      %mul3A_669 = arith.muli %select_n3A_665, %mul3A_668 : vector<32x4x104xi32>
      %add3A_670 = arith.addi %add3A_657, %mul3A_669 : vector<32x4x104xi32>
      %eq3A_671 = arith.constant 10 : i32
      %eq3A_672 = vector.broadcast %eq3A_671 : i32 to vector<32x4x104xi32>
      %eq3A_673 = arith.cmpi eq, %select_n3A_513, %eq3A_672 : vector<32x4x104xi32>
      %jit3A_674 = arith.constant 1 : i32
      %jit3A_675 = arith.constant 0 : i32
      %broadcast_in_dim3A_676 = vector.broadcast %jit3A_674 : i32 to vector<32x4x104xi32>
      %broadcast_in_dim3A_677 = vector.broadcast %jit3A_675 : i32 to vector<32x4x104xi32>
      %select_n3A_678 = arith.select %eq3A_673, %broadcast_in_dim3A_676, %broadcast_in_dim3A_677 : vector<32x4x104xi1>, vector<32x4x104xi32>
      %slice3A_679 = vector.extract_strided_slice %add3A_480 {offsets = [10, 0], sizes = [1, 1], strides = [1, 1]} : vector<16x1xi32> to vector<1x1xi32>
      %reshape3A_680 = vector.shape_cast %slice3A_679 : vector<1x1xi32> to vector<1x1x1xi32>
      %mul3A_681 = vector.broadcast %reshape3A_680 : vector<1x1x1xi32> to vector<32x4x104xi32>
      %mul3A_682 = arith.muli %select_n3A_678, %mul3A_681 : vector<32x4x104xi32>
      %add3A_683 = arith.addi %add3A_670, %mul3A_682 : vector<32x4x104xi32>
      %eq3A_684 = arith.constant 11 : i32
      %eq3A_685 = vector.broadcast %eq3A_684 : i32 to vector<32x4x104xi32>
      %eq3A_686 = arith.cmpi eq, %select_n3A_513, %eq3A_685 : vector<32x4x104xi32>
      %jit3A_687 = arith.constant 1 : i32
      %jit3A_688 = arith.constant 0 : i32
      %broadcast_in_dim3A_689 = vector.broadcast %jit3A_687 : i32 to vector<32x4x104xi32>
      %broadcast_in_dim3A_690 = vector.broadcast %jit3A_688 : i32 to vector<32x4x104xi32>
      %select_n3A_691 = arith.select %eq3A_686, %broadcast_in_dim3A_689, %broadcast_in_dim3A_690 : vector<32x4x104xi1>, vector<32x4x104xi32>
      %slice3A_692 = vector.extract_strided_slice %add3A_480 {offsets = [11, 0], sizes = [1, 1], strides = [1, 1]} : vector<16x1xi32> to vector<1x1xi32>
      %reshape3A_693 = vector.shape_cast %slice3A_692 : vector<1x1xi32> to vector<1x1x1xi32>
      %mul3A_694 = vector.broadcast %reshape3A_693 : vector<1x1x1xi32> to vector<32x4x104xi32>
      %mul3A_695 = arith.muli %select_n3A_691, %mul3A_694 : vector<32x4x104xi32>
      %add3A_696 = arith.addi %add3A_683, %mul3A_695 : vector<32x4x104xi32>
      %eq3A_697 = arith.constant 12 : i32
      %eq3A_698 = vector.broadcast %eq3A_697 : i32 to vector<32x4x104xi32>
      %eq3A_699 = arith.cmpi eq, %select_n3A_513, %eq3A_698 : vector<32x4x104xi32>
      %jit3A_700 = arith.constant 1 : i32
      %jit3A_701 = arith.constant 0 : i32
      %broadcast_in_dim3A_702 = vector.broadcast %jit3A_700 : i32 to vector<32x4x104xi32>
      %broadcast_in_dim3A_703 = vector.broadcast %jit3A_701 : i32 to vector<32x4x104xi32>
      %select_n3A_704 = arith.select %eq3A_699, %broadcast_in_dim3A_702, %broadcast_in_dim3A_703 : vector<32x4x104xi1>, vector<32x4x104xi32>
      %slice3A_705 = vector.extract_strided_slice %add3A_480 {offsets = [12, 0], sizes = [1, 1], strides = [1, 1]} : vector<16x1xi32> to vector<1x1xi32>
      %reshape3A_706 = vector.shape_cast %slice3A_705 : vector<1x1xi32> to vector<1x1x1xi32>
      %mul3A_707 = vector.broadcast %reshape3A_706 : vector<1x1x1xi32> to vector<32x4x104xi32>
      %mul3A_708 = arith.muli %select_n3A_704, %mul3A_707 : vector<32x4x104xi32>
      %add3A_709 = arith.addi %add3A_696, %mul3A_708 : vector<32x4x104xi32>
      %eq3A_710 = arith.constant 13 : i32
      %eq3A_711 = vector.broadcast %eq3A_710 : i32 to vector<32x4x104xi32>
      %eq3A_712 = arith.cmpi eq, %select_n3A_513, %eq3A_711 : vector<32x4x104xi32>
      %jit3A_713 = arith.constant 1 : i32
      %jit3A_714 = arith.constant 0 : i32
      %broadcast_in_dim3A_715 = vector.broadcast %jit3A_713 : i32 to vector<32x4x104xi32>
      %broadcast_in_dim3A_716 = vector.broadcast %jit3A_714 : i32 to vector<32x4x104xi32>
      %select_n3A_717 = arith.select %eq3A_712, %broadcast_in_dim3A_715, %broadcast_in_dim3A_716 : vector<32x4x104xi1>, vector<32x4x104xi32>
      %slice3A_718 = vector.extract_strided_slice %add3A_480 {offsets = [13, 0], sizes = [1, 1], strides = [1, 1]} : vector<16x1xi32> to vector<1x1xi32>
      %reshape3A_719 = vector.shape_cast %slice3A_718 : vector<1x1xi32> to vector<1x1x1xi32>
      %mul3A_720 = vector.broadcast %reshape3A_719 : vector<1x1x1xi32> to vector<32x4x104xi32>
      %mul3A_721 = arith.muli %select_n3A_717, %mul3A_720 : vector<32x4x104xi32>
      %add3A_722 = arith.addi %add3A_709, %mul3A_721 : vector<32x4x104xi32>
      %eq3A_723 = arith.constant 14 : i32
      %eq3A_724 = vector.broadcast %eq3A_723 : i32 to vector<32x4x104xi32>
      %eq3A_725 = arith.cmpi eq, %select_n3A_513, %eq3A_724 : vector<32x4x104xi32>
      %jit3A_726 = arith.constant 1 : i32
      %jit3A_727 = arith.constant 0 : i32
      %broadcast_in_dim3A_728 = vector.broadcast %jit3A_726 : i32 to vector<32x4x104xi32>
      %broadcast_in_dim3A_729 = vector.broadcast %jit3A_727 : i32 to vector<32x4x104xi32>
      %select_n3A_730 = arith.select %eq3A_725, %broadcast_in_dim3A_728, %broadcast_in_dim3A_729 : vector<32x4x104xi1>, vector<32x4x104xi32>
      %slice3A_731 = vector.extract_strided_slice %add3A_480 {offsets = [14, 0], sizes = [1, 1], strides = [1, 1]} : vector<16x1xi32> to vector<1x1xi32>
      %reshape3A_732 = vector.shape_cast %slice3A_731 : vector<1x1xi32> to vector<1x1x1xi32>
      %mul3A_733 = vector.broadcast %reshape3A_732 : vector<1x1x1xi32> to vector<32x4x104xi32>
      %mul3A_734 = arith.muli %select_n3A_730, %mul3A_733 : vector<32x4x104xi32>
      %add3A_735 = arith.addi %add3A_722, %mul3A_734 : vector<32x4x104xi32>
      %eq3A_736 = arith.constant 15 : i32
      %eq3A_737 = vector.broadcast %eq3A_736 : i32 to vector<32x4x104xi32>
      %eq3A_738 = arith.cmpi eq, %select_n3A_513, %eq3A_737 : vector<32x4x104xi32>
      %jit3A_739 = arith.constant 1 : i32
      %jit3A_740 = arith.constant 0 : i32
      %broadcast_in_dim3A_741 = vector.broadcast %jit3A_739 : i32 to vector<32x4x104xi32>
      %broadcast_in_dim3A_742 = vector.broadcast %jit3A_740 : i32 to vector<32x4x104xi32>
      %select_n3A_743 = arith.select %eq3A_738, %broadcast_in_dim3A_741, %broadcast_in_dim3A_742 : vector<32x4x104xi1>, vector<32x4x104xi32>
      %slice3A_744 = vector.extract_strided_slice %add3A_480 {offsets = [15, 0], sizes = [1, 1], strides = [1, 1]} : vector<16x1xi32> to vector<1x1xi32>
      %reshape3A_745 = vector.shape_cast %slice3A_744 : vector<1x1xi32> to vector<1x1x1xi32>
      %mul3A_746 = vector.broadcast %reshape3A_745 : vector<1x1x1xi32> to vector<32x4x104xi32>
      %mul3A_747 = arith.muli %select_n3A_743, %mul3A_746 : vector<32x4x104xi32>
      %add3A_748 = arith.addi %add3A_735, %mul3A_747 : vector<32x4x104xi32>
      %sub3A_749 = arith.constant 4 : i32
      %sub3A_750 = vector.broadcast %sub3A_749 : i32 to vector<32x4x104xi32>
      %sub3A_751 = arith.subi %add3A_539, %sub3A_750 : vector<32x4x104xi32>
      %jit3A_752 = arith.constant 64 : i32
      %div3A_753 = vector.broadcast %jit3A_752 : i32 to vector<32x4x104xi32>
      %div3A_754 = arith.divsi %sub3A_751, %div3A_753 : vector<32x4x104xi32>
      %sign3A_755 = arith.constant 0 : i32
      %sign3A_756 = vector.broadcast %sign3A_755 : i32 to vector<32x4x104xi32>
      %sign3A_757 = arith.cmpi sgt, %sub3A_751, %sign3A_756 : vector<32x4x104xi32>
      %sign3A_758 = arith.extui %sign3A_757 : vector<32x4x104xi1> to vector<32x4x104xi32>
      %sign3A_759 = arith.constant 0 : i32
      %sign3A_760 = vector.broadcast %sign3A_759 : i32 to vector<32x4x104xi32>
      %sign3A_761 = arith.cmpi slt, %sub3A_751, %sign3A_760 : vector<32x4x104xi32>
      %sign3A_762 = arith.extui %sign3A_761 : vector<32x4x104xi1> to vector<32x4x104xi32>
      %sign3A_763 = arith.subi %sign3A_758, %sign3A_762 : vector<32x4x104xi32>
      %sign3A_764 = arith.constant 0 : i32
      %sign3A_765 = arith.cmpi sgt, %jit3A_752, %sign3A_764 : i32
      %sign3A_766 = arith.extui %sign3A_765 : i1 to i32
      %sign3A_767 = arith.constant 0 : i32
      %sign3A_768 = arith.cmpi slt, %jit3A_752, %sign3A_767 : i32
      %sign3A_769 = arith.extui %sign3A_768 : i1 to i32
      %sign3A_770 = arith.subi %sign3A_766, %sign3A_769 : i32
      %ne3A_771 = vector.broadcast %sign3A_770 : i32 to vector<32x4x104xi32>
      %ne3A_772 = arith.cmpi ne, %sign3A_763, %ne3A_771 : vector<32x4x104xi32>
      %rem3A_773 = vector.broadcast %jit3A_752 : i32 to vector<32x4x104xi32>
      %rem3A_774 = arith.remsi %sub3A_751, %rem3A_773 : vector<32x4x104xi32>
      %ne3A_775 = arith.constant 0 : i32
      %ne3A_776 = vector.broadcast %ne3A_775 : i32 to vector<32x4x104xi32>
      %ne3A_777 = arith.cmpi ne, %rem3A_774, %ne3A_776 : vector<32x4x104xi32>
      %and3A_778 = arith.andi %ne3A_772, %ne3A_777 : vector<32x4x104xi1>
      %sub3A_779 = arith.constant 1 : i32
      %sub3A_780 = vector.broadcast %sub3A_779 : i32 to vector<32x4x104xi32>
      %sub3A_781 = arith.subi %div3A_754, %sub3A_780 : vector<32x4x104xi32>
      %select_n3A_782 = arith.select %and3A_778, %sub3A_781, %div3A_754 : vector<32x4x104xi1>, vector<32x4x104xi32>
      %jit3A_783 = arith.constant 0 : i32
      %jit3A_784 = arith.constant 3 : i32
      %max3A = vector.broadcast %jit3A_783 : i32 to vector<32x4x104xi32>
      %max3A_785 = arith.maxsi %max3A, %select_n3A_782 : vector<32x4x104xi32>
      %min3A = vector.broadcast %jit3A_784 : i32 to vector<32x4x104xi32>
      %min3A_786 = arith.minsi %min3A, %max3A_785 : vector<32x4x104xi32>
      %eq3A_787 = arith.constant 0 : i32
      %eq3A_788 = vector.broadcast %eq3A_787 : i32 to vector<32x4x104xi32>
      %eq3A_789 = arith.cmpi eq, %min3A_786, %eq3A_788 : vector<32x4x104xi32>
      %convert_element_type3A_790 = arith.extui %eq3A_789 : vector<32x4x104xi1> to vector<32x4x104xi32>
      %jit3A_791 = arith.constant 1 : i32
      %div3A_792 = vector.broadcast %jit3A_791 : i32 to vector<32x4x104xi32>
      %div3A_793 = arith.divsi %add3A_748, %div3A_792 : vector<32x4x104xi32>
      %sign3A_794 = arith.constant 0 : i32
      %sign3A_795 = vector.broadcast %sign3A_794 : i32 to vector<32x4x104xi32>
      %sign3A_796 = arith.cmpi sgt, %add3A_748, %sign3A_795 : vector<32x4x104xi32>
      %sign3A_797 = arith.extui %sign3A_796 : vector<32x4x104xi1> to vector<32x4x104xi32>
      %sign3A_798 = arith.constant 0 : i32
      %sign3A_799 = vector.broadcast %sign3A_798 : i32 to vector<32x4x104xi32>
      %sign3A_800 = arith.cmpi slt, %add3A_748, %sign3A_799 : vector<32x4x104xi32>
      %sign3A_801 = arith.extui %sign3A_800 : vector<32x4x104xi1> to vector<32x4x104xi32>
      %sign3A_802 = arith.subi %sign3A_797, %sign3A_801 : vector<32x4x104xi32>
      %sign3A_803 = arith.constant 0 : i32
      %sign3A_804 = arith.cmpi sgt, %jit3A_791, %sign3A_803 : i32
      %sign3A_805 = arith.extui %sign3A_804 : i1 to i32
      %sign3A_806 = arith.constant 0 : i32
      %sign3A_807 = arith.cmpi slt, %jit3A_791, %sign3A_806 : i32
      %sign3A_808 = arith.extui %sign3A_807 : i1 to i32
      %sign3A_809 = arith.subi %sign3A_805, %sign3A_808 : i32
      %ne3A_810 = vector.broadcast %sign3A_809 : i32 to vector<32x4x104xi32>
      %ne3A_811 = arith.cmpi ne, %sign3A_802, %ne3A_810 : vector<32x4x104xi32>
      %rem3A_812 = vector.broadcast %jit3A_791 : i32 to vector<32x4x104xi32>
      %rem3A_813 = arith.remsi %add3A_748, %rem3A_812 : vector<32x4x104xi32>
      %ne3A_814 = arith.constant 0 : i32
      %ne3A_815 = vector.broadcast %ne3A_814 : i32 to vector<32x4x104xi32>
      %ne3A_816 = arith.cmpi ne, %rem3A_813, %ne3A_815 : vector<32x4x104xi32>
      %and3A_817 = arith.andi %ne3A_811, %ne3A_816 : vector<32x4x104xi1>
      %sub3A_818 = arith.constant 1 : i32
      %sub3A_819 = vector.broadcast %sub3A_818 : i32 to vector<32x4x104xi32>
      %sub3A_820 = arith.subi %div3A_793, %sub3A_819 : vector<32x4x104xi32>
      %select_n3A_821 = arith.select %and3A_817, %sub3A_820, %div3A_793 : vector<32x4x104xi1>, vector<32x4x104xi32>
      %jit3A_822 = arith.constant 32 : i32
      %eq3A_823 = arith.constant 0 : i32
      %eq3A_824 = arith.cmpi eq, %jit3A_822, %eq3A_823 : i32
      %jit3A_825 = arith.constant 1 : i32
      %select_n3A_826 = arith.select %eq3A_824, %jit3A_825, %jit3A_822 : i32
      %rem3A_827 = vector.broadcast %select_n3A_826 : i32 to vector<32x4x104xi32>
      %rem3A_828 = arith.remsi %select_n3A_821, %rem3A_827 : vector<32x4x104xi32>
      %ne3A_829 = arith.constant 0 : i32
      %ne3A_830 = vector.broadcast %ne3A_829 : i32 to vector<32x4x104xi32>
      %ne3A_831 = arith.cmpi ne, %rem3A_828, %ne3A_830 : vector<32x4x104xi32>
      %lt3A_832 = arith.constant 0 : i32
      %lt3A_833 = vector.broadcast %lt3A_832 : i32 to vector<32x4x104xi32>
      %lt3A_834 = arith.cmpi slt, %rem3A_828, %lt3A_833 : vector<32x4x104xi32>
      %lt3A_835 = arith.constant 0 : i32
      %lt3A_836 = arith.cmpi slt, %select_n3A_826, %lt3A_835 : i32
      %ne3A_837 = vector.broadcast %lt3A_836 : i1 to vector<32x4x104xi1>
      %ne3A_838 = vector.broadcast %ne3A_837 : vector<32x4x104xi1> to vector<32x4x104xi1>
      %ne3A_839 = arith.xori %lt3A_834, %ne3A_838 : vector<32x4x104xi1>
      %and3A_840 = arith.andi %ne3A_839, %ne3A_831 : vector<32x4x104xi1>
      %add3A_841 = vector.broadcast %select_n3A_826 : i32 to vector<32x4x104xi32>
      %add3A_842 = arith.addi %rem3A_828, %add3A_841 : vector<32x4x104xi32>
      %select_n3A_843 = arith.select %and3A_840, %add3A_842, %rem3A_828 : vector<32x4x104xi1>, vector<32x4x104xi32>
      %mul3A_844 = arith.muli %convert_element_type3A_790, %select_n3A_843 : vector<32x4x104xi32>
      %add3A_845 = arith.constant 0 : i32
      %add3A_846 = vector.broadcast %add3A_845 : i32 to vector<32x4x104xi32>
      %add3A_847 = arith.addi %add3A_846, %mul3A_844 : vector<32x4x104xi32>
      %eq3A_848 = arith.constant 1 : i32
      %eq3A_849 = vector.broadcast %eq3A_848 : i32 to vector<32x4x104xi32>
      %eq3A_850 = arith.cmpi eq, %min3A_786, %eq3A_849 : vector<32x4x104xi32>
      %convert_element_type3A_851 = arith.extui %eq3A_850 : vector<32x4x104xi1> to vector<32x4x104xi32>
      %jit3A_852 = arith.constant 32 : i32
      %div3A_853 = vector.broadcast %jit3A_852 : i32 to vector<32x4x104xi32>
      %div3A_854 = arith.divsi %add3A_748, %div3A_853 : vector<32x4x104xi32>
      %sign3A_855 = arith.constant 0 : i32
      %sign3A_856 = vector.broadcast %sign3A_855 : i32 to vector<32x4x104xi32>
      %sign3A_857 = arith.cmpi sgt, %add3A_748, %sign3A_856 : vector<32x4x104xi32>
      %sign3A_858 = arith.extui %sign3A_857 : vector<32x4x104xi1> to vector<32x4x104xi32>
      %sign3A_859 = arith.constant 0 : i32
      %sign3A_860 = vector.broadcast %sign3A_859 : i32 to vector<32x4x104xi32>
      %sign3A_861 = arith.cmpi slt, %add3A_748, %sign3A_860 : vector<32x4x104xi32>
      %sign3A_862 = arith.extui %sign3A_861 : vector<32x4x104xi1> to vector<32x4x104xi32>
      %sign3A_863 = arith.subi %sign3A_858, %sign3A_862 : vector<32x4x104xi32>
      %sign3A_864 = arith.constant 0 : i32
      %sign3A_865 = arith.cmpi sgt, %jit3A_852, %sign3A_864 : i32
      %sign3A_866 = arith.extui %sign3A_865 : i1 to i32
      %sign3A_867 = arith.constant 0 : i32
      %sign3A_868 = arith.cmpi slt, %jit3A_852, %sign3A_867 : i32
      %sign3A_869 = arith.extui %sign3A_868 : i1 to i32
      %sign3A_870 = arith.subi %sign3A_866, %sign3A_869 : i32
      %ne3A_871 = vector.broadcast %sign3A_870 : i32 to vector<32x4x104xi32>
      %ne3A_872 = arith.cmpi ne, %sign3A_863, %ne3A_871 : vector<32x4x104xi32>
      %rem3A_873 = vector.broadcast %jit3A_852 : i32 to vector<32x4x104xi32>
      %rem3A_874 = arith.remsi %add3A_748, %rem3A_873 : vector<32x4x104xi32>
      %ne3A_875 = arith.constant 0 : i32
      %ne3A_876 = vector.broadcast %ne3A_875 : i32 to vector<32x4x104xi32>
      %ne3A_877 = arith.cmpi ne, %rem3A_874, %ne3A_876 : vector<32x4x104xi32>
      %and3A_878 = arith.andi %ne3A_872, %ne3A_877 : vector<32x4x104xi1>
      %sub3A_879 = arith.constant 1 : i32
      %sub3A_880 = vector.broadcast %sub3A_879 : i32 to vector<32x4x104xi32>
      %sub3A_881 = arith.subi %div3A_854, %sub3A_880 : vector<32x4x104xi32>
      %select_n3A_882 = arith.select %and3A_878, %sub3A_881, %div3A_854 : vector<32x4x104xi1>, vector<32x4x104xi32>
      %jit3A_883 = arith.constant 32 : i32
      %eq3A_884 = arith.constant 0 : i32
      %eq3A_885 = arith.cmpi eq, %jit3A_883, %eq3A_884 : i32
      %jit3A_886 = arith.constant 1 : i32
      %select_n3A_887 = arith.select %eq3A_885, %jit3A_886, %jit3A_883 : i32
      %rem3A_888 = vector.broadcast %select_n3A_887 : i32 to vector<32x4x104xi32>
      %rem3A_889 = arith.remsi %select_n3A_882, %rem3A_888 : vector<32x4x104xi32>
      %ne3A_890 = arith.constant 0 : i32
      %ne3A_891 = vector.broadcast %ne3A_890 : i32 to vector<32x4x104xi32>
      %ne3A_892 = arith.cmpi ne, %rem3A_889, %ne3A_891 : vector<32x4x104xi32>
      %lt3A_893 = arith.constant 0 : i32
      %lt3A_894 = vector.broadcast %lt3A_893 : i32 to vector<32x4x104xi32>
      %lt3A_895 = arith.cmpi slt, %rem3A_889, %lt3A_894 : vector<32x4x104xi32>
      %lt3A_896 = arith.constant 0 : i32
      %lt3A_897 = arith.cmpi slt, %select_n3A_887, %lt3A_896 : i32
      %ne3A_898 = vector.broadcast %lt3A_897 : i1 to vector<32x4x104xi1>
      %ne3A_899 = vector.broadcast %ne3A_898 : vector<32x4x104xi1> to vector<32x4x104xi1>
      %ne3A_900 = arith.xori %lt3A_895, %ne3A_899 : vector<32x4x104xi1>
      %and3A_901 = arith.andi %ne3A_900, %ne3A_892 : vector<32x4x104xi1>
      %add3A_902 = vector.broadcast %select_n3A_887 : i32 to vector<32x4x104xi32>
      %add3A_903 = arith.addi %rem3A_889, %add3A_902 : vector<32x4x104xi32>
      %select_n3A_904 = arith.select %and3A_901, %add3A_903, %rem3A_889 : vector<32x4x104xi1>, vector<32x4x104xi32>
      %mul3A_905 = arith.muli %convert_element_type3A_851, %select_n3A_904 : vector<32x4x104xi32>
      %add3A_906 = arith.addi %add3A_847, %mul3A_905 : vector<32x4x104xi32>
      %eq3A_907 = arith.constant 2 : i32
      %eq3A_908 = vector.broadcast %eq3A_907 : i32 to vector<32x4x104xi32>
      %eq3A_909 = arith.cmpi eq, %min3A_786, %eq3A_908 : vector<32x4x104xi32>
      %convert_element_type3A_910 = arith.extui %eq3A_909 : vector<32x4x104xi1> to vector<32x4x104xi32>
      %jit3A_911 = arith.constant 1024 : i32
      %div3A_912 = vector.broadcast %jit3A_911 : i32 to vector<32x4x104xi32>
      %div3A_913 = arith.divsi %add3A_748, %div3A_912 : vector<32x4x104xi32>
      %sign3A_914 = arith.constant 0 : i32
      %sign3A_915 = vector.broadcast %sign3A_914 : i32 to vector<32x4x104xi32>
      %sign3A_916 = arith.cmpi sgt, %add3A_748, %sign3A_915 : vector<32x4x104xi32>
      %sign3A_917 = arith.extui %sign3A_916 : vector<32x4x104xi1> to vector<32x4x104xi32>
      %sign3A_918 = arith.constant 0 : i32
      %sign3A_919 = vector.broadcast %sign3A_918 : i32 to vector<32x4x104xi32>
      %sign3A_920 = arith.cmpi slt, %add3A_748, %sign3A_919 : vector<32x4x104xi32>
      %sign3A_921 = arith.extui %sign3A_920 : vector<32x4x104xi1> to vector<32x4x104xi32>
      %sign3A_922 = arith.subi %sign3A_917, %sign3A_921 : vector<32x4x104xi32>
      %sign3A_923 = arith.constant 0 : i32
      %sign3A_924 = arith.cmpi sgt, %jit3A_911, %sign3A_923 : i32
      %sign3A_925 = arith.extui %sign3A_924 : i1 to i32
      %sign3A_926 = arith.constant 0 : i32
      %sign3A_927 = arith.cmpi slt, %jit3A_911, %sign3A_926 : i32
      %sign3A_928 = arith.extui %sign3A_927 : i1 to i32
      %sign3A_929 = arith.subi %sign3A_925, %sign3A_928 : i32
      %ne3A_930 = vector.broadcast %sign3A_929 : i32 to vector<32x4x104xi32>
      %ne3A_931 = arith.cmpi ne, %sign3A_922, %ne3A_930 : vector<32x4x104xi32>
      %rem3A_932 = vector.broadcast %jit3A_911 : i32 to vector<32x4x104xi32>
      %rem3A_933 = arith.remsi %add3A_748, %rem3A_932 : vector<32x4x104xi32>
      %ne3A_934 = arith.constant 0 : i32
      %ne3A_935 = vector.broadcast %ne3A_934 : i32 to vector<32x4x104xi32>
      %ne3A_936 = arith.cmpi ne, %rem3A_933, %ne3A_935 : vector<32x4x104xi32>
      %and3A_937 = arith.andi %ne3A_931, %ne3A_936 : vector<32x4x104xi1>
      %sub3A_938 = arith.constant 1 : i32
      %sub3A_939 = vector.broadcast %sub3A_938 : i32 to vector<32x4x104xi32>
      %sub3A_940 = arith.subi %div3A_913, %sub3A_939 : vector<32x4x104xi32>
      %select_n3A_941 = arith.select %and3A_937, %sub3A_940, %div3A_913 : vector<32x4x104xi1>, vector<32x4x104xi32>
      %jit3A_942 = arith.constant 32 : i32
      %eq3A_943 = arith.constant 0 : i32
      %eq3A_944 = arith.cmpi eq, %jit3A_942, %eq3A_943 : i32
      %jit3A_945 = arith.constant 1 : i32
      %select_n3A_946 = arith.select %eq3A_944, %jit3A_945, %jit3A_942 : i32
      %rem3A_947 = vector.broadcast %select_n3A_946 : i32 to vector<32x4x104xi32>
      %rem3A_948 = arith.remsi %select_n3A_941, %rem3A_947 : vector<32x4x104xi32>
      %ne3A_949 = arith.constant 0 : i32
      %ne3A_950 = vector.broadcast %ne3A_949 : i32 to vector<32x4x104xi32>
      %ne3A_951 = arith.cmpi ne, %rem3A_948, %ne3A_950 : vector<32x4x104xi32>
      %lt3A_952 = arith.constant 0 : i32
      %lt3A_953 = vector.broadcast %lt3A_952 : i32 to vector<32x4x104xi32>
      %lt3A_954 = arith.cmpi slt, %rem3A_948, %lt3A_953 : vector<32x4x104xi32>
      %lt3A_955 = arith.constant 0 : i32
      %lt3A_956 = arith.cmpi slt, %select_n3A_946, %lt3A_955 : i32
      %ne3A_957 = vector.broadcast %lt3A_956 : i1 to vector<32x4x104xi1>
      %ne3A_958 = vector.broadcast %ne3A_957 : vector<32x4x104xi1> to vector<32x4x104xi1>
      %ne3A_959 = arith.xori %lt3A_954, %ne3A_958 : vector<32x4x104xi1>
      %and3A_960 = arith.andi %ne3A_959, %ne3A_951 : vector<32x4x104xi1>
      %add3A_961 = vector.broadcast %select_n3A_946 : i32 to vector<32x4x104xi32>
      %add3A_962 = arith.addi %rem3A_948, %add3A_961 : vector<32x4x104xi32>
      %select_n3A_963 = arith.select %and3A_960, %add3A_962, %rem3A_948 : vector<32x4x104xi1>, vector<32x4x104xi32>
      %mul3A_964 = arith.muli %convert_element_type3A_910, %select_n3A_963 : vector<32x4x104xi32>
      %add3A_965 = arith.addi %add3A_906, %mul3A_964 : vector<32x4x104xi32>
      %eq3A_966 = arith.constant 3 : i32
      %eq3A_967 = vector.broadcast %eq3A_966 : i32 to vector<32x4x104xi32>
      %eq3A_968 = arith.cmpi eq, %min3A_786, %eq3A_967 : vector<32x4x104xi32>
      %convert_element_type3A_969 = arith.extui %eq3A_968 : vector<32x4x104xi1> to vector<32x4x104xi32>
      %jit3A_970 = arith.constant 32768 : i32
      %div3A_971 = vector.broadcast %jit3A_970 : i32 to vector<32x4x104xi32>
      %div3A_972 = arith.divsi %add3A_748, %div3A_971 : vector<32x4x104xi32>
      %sign3A_973 = arith.constant 0 : i32
      %sign3A_974 = vector.broadcast %sign3A_973 : i32 to vector<32x4x104xi32>
      %sign3A_975 = arith.cmpi sgt, %add3A_748, %sign3A_974 : vector<32x4x104xi32>
      %sign3A_976 = arith.extui %sign3A_975 : vector<32x4x104xi1> to vector<32x4x104xi32>
      %sign3A_977 = arith.constant 0 : i32
      %sign3A_978 = vector.broadcast %sign3A_977 : i32 to vector<32x4x104xi32>
      %sign3A_979 = arith.cmpi slt, %add3A_748, %sign3A_978 : vector<32x4x104xi32>
      %sign3A_980 = arith.extui %sign3A_979 : vector<32x4x104xi1> to vector<32x4x104xi32>
      %sign3A_981 = arith.subi %sign3A_976, %sign3A_980 : vector<32x4x104xi32>
      %sign3A_982 = arith.constant 0 : i32
      %sign3A_983 = arith.cmpi sgt, %jit3A_970, %sign3A_982 : i32
      %sign3A_984 = arith.extui %sign3A_983 : i1 to i32
      %sign3A_985 = arith.constant 0 : i32
      %sign3A_986 = arith.cmpi slt, %jit3A_970, %sign3A_985 : i32
      %sign3A_987 = arith.extui %sign3A_986 : i1 to i32
      %sign3A_988 = arith.subi %sign3A_984, %sign3A_987 : i32
      %ne3A_989 = vector.broadcast %sign3A_988 : i32 to vector<32x4x104xi32>
      %ne3A_990 = arith.cmpi ne, %sign3A_981, %ne3A_989 : vector<32x4x104xi32>
      %rem3A_991 = vector.broadcast %jit3A_970 : i32 to vector<32x4x104xi32>
      %rem3A_992 = arith.remsi %add3A_748, %rem3A_991 : vector<32x4x104xi32>
      %ne3A_993 = arith.constant 0 : i32
      %ne3A_994 = vector.broadcast %ne3A_993 : i32 to vector<32x4x104xi32>
      %ne3A_995 = arith.cmpi ne, %rem3A_992, %ne3A_994 : vector<32x4x104xi32>
      %and3A_996 = arith.andi %ne3A_990, %ne3A_995 : vector<32x4x104xi1>
      %sub3A_997 = arith.constant 1 : i32
      %sub3A_998 = vector.broadcast %sub3A_997 : i32 to vector<32x4x104xi32>
      %sub3A_999 = arith.subi %div3A_972, %sub3A_998 : vector<32x4x104xi32>
      %select_n3A_1000 = arith.select %and3A_996, %sub3A_999, %div3A_972 : vector<32x4x104xi1>, vector<32x4x104xi32>
      %jit3A_1001 = arith.constant 32 : i32
      %eq3A_1002 = arith.constant 0 : i32
      %eq3A_1003 = arith.cmpi eq, %jit3A_1001, %eq3A_1002 : i32
      %jit3A_1004 = arith.constant 1 : i32
      %select_n3A_1005 = arith.select %eq3A_1003, %jit3A_1004, %jit3A_1001 : i32
      %rem3A_1006 = vector.broadcast %select_n3A_1005 : i32 to vector<32x4x104xi32>
      %rem3A_1007 = arith.remsi %select_n3A_1000, %rem3A_1006 : vector<32x4x104xi32>
      %ne3A_1008 = arith.constant 0 : i32
      %ne3A_1009 = vector.broadcast %ne3A_1008 : i32 to vector<32x4x104xi32>
      %ne3A_1010 = arith.cmpi ne, %rem3A_1007, %ne3A_1009 : vector<32x4x104xi32>
      %lt3A_1011 = arith.constant 0 : i32
      %lt3A_1012 = vector.broadcast %lt3A_1011 : i32 to vector<32x4x104xi32>
      %lt3A_1013 = arith.cmpi slt, %rem3A_1007, %lt3A_1012 : vector<32x4x104xi32>
      %lt3A_1014 = arith.constant 0 : i32
      %lt3A_1015 = arith.cmpi slt, %select_n3A_1005, %lt3A_1014 : i32
      %ne3A_1016 = vector.broadcast %lt3A_1015 : i1 to vector<32x4x104xi1>
      %ne3A_1017 = vector.broadcast %ne3A_1016 : vector<32x4x104xi1> to vector<32x4x104xi1>
      %ne3A_1018 = arith.xori %lt3A_1013, %ne3A_1017 : vector<32x4x104xi1>
      %and3A_1019 = arith.andi %ne3A_1018, %ne3A_1010 : vector<32x4x104xi1>
      %add3A_1020 = vector.broadcast %select_n3A_1005 : i32 to vector<32x4x104xi32>
      %add3A_1021 = arith.addi %rem3A_1007, %add3A_1020 : vector<32x4x104xi32>
      %select_n3A_1022 = arith.select %and3A_1019, %add3A_1021, %rem3A_1007 : vector<32x4x104xi1>, vector<32x4x104xi32>
      %mul3A_1023 = arith.muli %convert_element_type3A_969, %select_n3A_1022 : vector<32x4x104xi32>
      %add3A_1024 = arith.addi %add3A_965, %mul3A_1023 : vector<32x4x104xi32>
      %sub3A_1025 = arith.constant 4 : i32
      %sub3A_1026 = vector.broadcast %sub3A_1025 : i32 to vector<32x4x104xi32>
      %sub3A_1027 = arith.subi %add3A_539, %sub3A_1026 : vector<32x4x104xi32>
      %jit3A_1028 = arith.constant 64 : i32
      %eq3A_1029 = arith.constant 0 : i32
      %eq3A_1030 = arith.cmpi eq, %jit3A_1028, %eq3A_1029 : i32
      %jit3A_1031 = arith.constant 1 : i32
      %select_n3A_1032 = arith.select %eq3A_1030, %jit3A_1031, %jit3A_1028 : i32
      %rem3A_1033 = vector.broadcast %select_n3A_1032 : i32 to vector<32x4x104xi32>
      %rem3A_1034 = arith.remsi %sub3A_1027, %rem3A_1033 : vector<32x4x104xi32>
      %ne3A_1035 = arith.constant 0 : i32
      %ne3A_1036 = vector.broadcast %ne3A_1035 : i32 to vector<32x4x104xi32>
      %ne3A_1037 = arith.cmpi ne, %rem3A_1034, %ne3A_1036 : vector<32x4x104xi32>
      %lt3A_1038 = arith.constant 0 : i32
      %lt3A_1039 = vector.broadcast %lt3A_1038 : i32 to vector<32x4x104xi32>
      %lt3A_1040 = arith.cmpi slt, %rem3A_1034, %lt3A_1039 : vector<32x4x104xi32>
      %lt3A_1041 = arith.constant 0 : i32
      %lt3A_1042 = arith.cmpi slt, %select_n3A_1032, %lt3A_1041 : i32
      %ne3A_1043 = vector.broadcast %lt3A_1042 : i1 to vector<32x4x104xi1>
      %ne3A_1044 = vector.broadcast %ne3A_1043 : vector<32x4x104xi1> to vector<32x4x104xi1>
      %ne3A_1045 = arith.xori %lt3A_1040, %ne3A_1044 : vector<32x4x104xi1>
      %and3A_1046 = arith.andi %ne3A_1045, %ne3A_1037 : vector<32x4x104xi1>
      %add3A_1047 = vector.broadcast %select_n3A_1032 : i32 to vector<32x4x104xi32>
      %add3A_1048 = arith.addi %rem3A_1034, %add3A_1047 : vector<32x4x104xi32>
      %select_n3A_1049 = arith.select %and3A_1046, %add3A_1048, %rem3A_1034 : vector<32x4x104xi1>, vector<32x4x104xi32>
      %add3A_1050 = arith.constant 4 : i32
      %add3A_1051 = vector.broadcast %add3A_1050 : i32 to vector<32x4x104xi32>
      %add3A_1052 = arith.addi %add3A_1051, %select_n3A_1049 : vector<32x4x104xi32>
      %mul3A_1053 = arith.constant 64 : i32
      %mul3A_1054 = vector.broadcast %mul3A_1053 : i32 to vector<32x4x104xi32>
      %mul3A_1055 = arith.muli %mul3A_1054, %add3A_1024 : vector<32x4x104xi32>
      %add3A_1056 = arith.addi %add3A_1052, %mul3A_1055 : vector<32x4x104xi32>
      %lt3A_1057 = arith.constant 4 : i32
      %lt3A_1058 = vector.broadcast %lt3A_1057 : i32 to vector<32x4x104xi32>
      %lt3A_1059 = arith.cmpi slt, %add3A_539, %lt3A_1058 : vector<32x4x104xi32>
      %lt3A_1060 = arith.constant 260 : i32
      %lt3A_1061 = vector.broadcast %lt3A_1060 : i32 to vector<32x4x104xi32>
      %lt3A_1062 = arith.cmpi slt, %add3A_539, %lt3A_1061 : vector<32x4x104xi32>
      %sub3A_1063 = arith.constant 260 : i32
      %sub3A_1064 = vector.broadcast %sub3A_1063 : i32 to vector<32x4x104xi32>
      %sub3A_1065 = arith.subi %add3A_539, %sub3A_1064 : vector<32x4x104xi32>
      %add3A_1066 = arith.constant 1476 : i32
      %add3A_1067 = vector.broadcast %add3A_1066 : i32 to vector<32x4x104xi32>
      %add3A_1068 = arith.addi %add3A_1067, %sub3A_1065 : vector<32x4x104xi32>
      %select_n3A_1069 = arith.select %lt3A_1062, %add3A_1056, %add3A_1068 : vector<32x4x104xi1>, vector<32x4x104xi32>
      %select_n3A_1070 = arith.select %lt3A_1059, %add3A_539, %select_n3A_1069 : vector<32x4x104xi1>, vector<32x4x104xi32>
      %mul3A_1071 = arith.constant 2048 : i32
      %mul3A_1072 = vector.broadcast %mul3A_1071 : i32 to vector<32x4x104xi32>
      %mul3A_1073 = arith.muli %select_n3A_513, %mul3A_1072 : vector<32x4x104xi32>
      %add3A_1074 = arith.addi %select_n3A_1070, %mul3A_1073 : vector<32x4x104xi32>
      %swap3A_1075 = arith.constant 0 : index
      %swap3A_1076 = arith.constant 0 : index
      %swap3A_1077 = arith.constant 0 : index
      %swap3A_1078 = vector.load %arg2[%swap3A_1075, %swap3A_1076, %swap3A_1077] : memref<32x4x104xi32, #tpu.memory_space<vmem>>, vector<32x4x104xi32>
      tpu.vector_store %arg2[%swap3A_1075, %swap3A_1076, %swap3A_1077], %add3A_1074 {strides = array<i32>} : memref<32x4x104xi32, #tpu.memory_space<vmem>>, vector<32x4x104xi32>,
    } else {
    }
    return
  }
  func.func @transform_0(%arg0: i32) -> (i32, i32, i32, i32) {
    %c0_i32 = arith.constant 0 : i32
    %c0_i32_0 = arith.constant 0 : i32
    %c0_i32_1 = arith.constant 0 : i32
    %c0_i32_2 = arith.constant 0 : i32
    return %c0_i32, %arg0, %c0_i32_0, %c0_i32_1 : i32, i32, i32, i32
  }
  func.func @transform_1(%arg0: i32) -> (i32, i32, i32) {
    %c0_i32 = arith.constant 0 : i32
    %c0_i32_0 = arith.constant 0 : i32
    %c0_i32_1 = arith.constant 0 : i32
    %c0_i32_2 = arith.constant 0 : i32
    return %c0_i32, %c0_i32_0, %c0_i32_1 : i32, i32, i32
  }
}

</mosaic_0001>

<sc_bundles>
// kernel: kernel.4.cloned.1.call-start
scs
__scs_entry_jumppad:
0x0: {  	(pc) =	sbr.rel $0x88, $3  }
0x1: {  	(tag) =	ssettag $0x0;
	lr =	simm.s32 $0x1  }
0x2: {  	[smem:$0x3F9E] =	sst lr;
	_ =	strace $0xD0000000  }
0x3: {  	_ = 	snop  }
0x4: {  	_ = 	snop  }
0x5: {  	_ = 	snop  }
0x6: {  	_ = 	snop  }
0x7: {  	_ = 	snop  }
__scs_overlays_trampoline_lowered:
0x8: {  	[smem:$0x3FAD] =	sst s0  }
0x9: {  	[smem:$0x3FAE] =	sst s1  }
0xa: {  	[smem:$0x3FAF] =	sst s2  }
0xb: {  	[smem:$0x3FB0] =	sst s3  }
0xc: {  	[smem:$0x3FB1] =	sst s4  }
0xd: {  	[smem:$0x3FB2] =	sst s5  }
0xe: {  	[smem:$0x3FB3] =	sst s6  }
0xf: {  	[smem:$0x3FB4] =	sst s7  }
0x10: {  	[smem:$0x3FB5] =	sst s8  }
0x11: {  	[smem:$0x3FB6] =	sst s9;
	s0 =	simm.s32 @!p0 $0x0  }
0x12: {  	s1 =	sld [smem:$0x3F9C];
	s0 =	simm.s32 @p0 $0x1  }
0x13: {  	[smem:$0x3FB7] =	sst s0;
	s0 =	simm.s32 @!p1 $0x0  }
0x14: {  	s2 =	sld [smem:$0x3F9B];
	s0 =	simm.s32 @p1 $0x1  }
0x15: {  	[smem:$0x3FB8] =	sst s0;
	s0 =	simm.s32 @!p2 $0x0  }
0x16: {  	s3 =	sld [smem:$0x3FDB];
	s0 =	simm.s32 @p2 $0x1  }
0x17: {  	s4 =	simm.s32 $0x1BF5;
	[smem:$0x3FBA] =	sst s0  }
0x18: {  	s0 =	sld [smem:$0x3F9D];
	_ =	swait.ge [sflag:s4], $0x0  }
0x19: {  	s7 =	sld [smem:$0x3F9E]  }
0x1a: {  	s8 =	sadd.s32 $0xFFFFE003, lr  }
0x1b: {  	s9 =	sadd.s32 $0xFFFFFEF7, lr;
	s5 =	simm.s32 $0xFFFFFFFF;
	p2 =	slt.u32 s8, $0xFFFFF086  }
0x1c: {  	p1 =	slt.u32 s9, $0xF7A;
	s5 =	simm.s32 @!p2 $0x0  }
0x1d: {  	s5 =	simm.s32 @p1 $0x1;
	p0 =	seq.s32 s7, s2  }
0x1e: {  	s7 =	smul.u32 @!p0 $0xF7A, s2;
	p2 =	seq.s32 @!p0 s5, $0x0  }
0x1f: {  	s9 =	smul.u32 $0xF7A, s1;
	s8 =	simm.s32 @!p0 $0x1BF5;
	p2 =	por !p2, p0  }
0x20: {  	[sflag:s8] =	ssyncset.s32 @!p0 $0xFFFFF086;
	s6 =	sadd.s32 @!p0 s3, s7;
	s7 =	simm.s32 @!p0 $0x108  }
0x21: {  	s3 =	sadd.s32 s3, s9;
	s6 =	sadd.s32 @!p0 $0x88, s6;
	s7 =	simm.s32 @p2 $0x1082  }
0x22: {  	[simem:s7], [sflag:s8] =	dma.local @!p0 [hbm:s6], $0xF7A  }
0x23: {  	s9 =	sor.u32 $0xD0000000, s2;
	s6 =	simm.s32 $0x108;
	_ =	swait.ge @!p0 [sflag:s8], $0x0  }
0x24: {  	s3 =	sadd.s32 $0x88, s3;
	s6 =	simm.s32 @!p1 $0x1082;
	[sflag:s4] =	ssyncset.s32 $0xFFFFF086  }
0x25: {  	[simem:s6], [sflag:s4] =	dma.local [hbm:s3], $0xF7A  }
0x26: {  	[smem:$0x3F9E] =	sst s1;
	(tag) =	ssettag s2;
	_ =	strace s9  }
0x27: {  	s1 =	sld [smem:$0x3FAE]  }
0x28: {  	s2 =	sld [smem:$0x3FAF]  }
0x29: {  	s4 =	sld [smem:$0x3FB1]  }
0x2a: {  	p0 =	seq.s32 s5, $0x0;
	s5 =	sld [smem:$0x3FB2]  }
0x2b: {  	s6 =	sld [smem:$0x3FB3]  }
0x2c: {  	s7 =	sld [smem:$0x3FB4]  }
0x2d: {  	s3 =	simm.s32 $0x108;
	s8 =	sld [smem:$0x3FB5]  }
0x2e: {  	s3 =	simm.s32 @!p0 $0x1082;
	s9 =	sld [smem:$0x3FB6]  }
0x2f: {  	lr =	sadd.s32 s0, s3;
	s0 =	sld [smem:$0x3FAD]  }
0x30: {  	s3 =	sld [smem:$0x3FB0]  }
0x31: {  	[smem:$0x3FB9] =	sst s10  }
0x32: {  	s10 =	sld [smem:$0x3FB7];
	_ =	sdelay $0x3  }
0x33: {  	p0 =	seq.s32 s10, $0x1;
	s10 =	sld [smem:$0x3FB9];
	_ =	sdelay $0x3  }
0x34: {  	[smem:$0x3FB9] =	sst s10  }
0x35: {  	s10 =	sld [smem:$0x3FB8];
	_ =	sdelay $0x3  }
0x36: {  	p1 =	seq.s32 s10, $0x1;
	s10 =	sld [smem:$0x3FB9];
	_ =	sdelay $0x3  }
0x37: {  	[smem:$0x3FB9] =	sst s10  }
0x38: {  	s10 =	sld [smem:$0x3FBA]  }
0x39: {  	_ = 	snop;
	(pc) =	sbr.ind lr, $3  }
0x3a: {  	_ = 	snop  }
0x3b: {  	_ = 	snop  }
0x3c: {  	p2 =	seq.s32 s10, $0x1;
	s10 =	sld [smem:$0x3FB9]  }
0x3d: {  	_ =	shalt  }
0x3e: {  	_ =	shalt  }
0x3f: {  	_ =	shalt  }
0x40: {  	_ =	shalt  }
0x41: {  	_ =	shalt  }
0x42: {  	_ =	shalt  }
0x43: {  	_ =	shalt  }
0x44: {  	_ =	shalt  }
0x45: {  	_ =	shalt  }
0x46: {  	_ =	shalt  }
0x47: {  	_ =	shalt  }
0x48: {  	_ =	shalt  }
0x49: {  	_ =	shalt  }
0x4a: {  	_ =	shalt  }
0x4b: {  	_ =	shalt  }
0x4c: {  	_ =	shalt  }
0x4d: {  	_ =	shalt  }
0x4e: {  	_ =	shalt  }
0x4f: {  	_ =	shalt  }
0x50: {  	_ =	shalt  }
0x51: {  	_ =	shalt  }
0x52: {  	_ =	shalt  }
0x53: {  	_ =	shalt  }
0x54: {  	_ =	shalt  }
0x55: {  	_ =	shalt  }
0x56: {  	_ =	shalt  }
0x57: {  	_ =	shalt  }
0x58: {  	_ =	shalt  }
0x59: {  	_ =	shalt  }
0x5a: {  	_ =	shalt  }
0x5b: {  	_ =	shalt  }
0x5c: {  	_ =	shalt  }
0x5d: {  	_ =	shalt  }
0x5e: {  	_ =	shalt  }
0x5f: {  	_ =	shalt  }
0x60: {  	_ =	shalt  }
0x61: {  	_ =	shalt  }
0x62: {  	_ =	shalt  }
0x63: {  	_ =	shalt  }
0x64: {  	_ =	shalt  }
0x65: {  	_ =	shalt  }
0x66: {  	_ =	shalt  }
0x67: {  	_ =	shalt  }
0x68: {  	_ =	shalt  }
0x69: {  	_ =	shalt  }
0x6a: {  	_ =	shalt  }
0x6b: {  	_ =	shalt  }
0x6c: {  	_ =	shalt  }
0x6d: {  	_ =	shalt  }
0x6e: {  	_ =	shalt  }
0x6f: {  	_ =	shalt  }
0x70: {  	_ =	shalt  }
0x71: {  	_ =	shalt  }
0x72: {  	_ =	shalt  }
0x73: {  	_ =	shalt  }
0x74: {  	_ =	shalt  }
0x75: {  	_ =	shalt  }
0x76: {  	_ =	shalt  }
0x77: {  	_ =	shalt  }
0x78: {  	_ =	shalt  }
0x79: {  	_ =	shalt  }
0x7a: {  	_ =	shalt  }
0x7b: {  	_ =	shalt  }
0x7c: {  	_ =	shalt  }
0x7d: {  	_ =	shalt  }
0x7e: {  	_ =	shalt  }
0x7f: {  	_ =	shalt  }
0x80: {  	_ =	shalt  }
0x81: {  	_ =	shalt  }
0x82: {  	_ =	shalt  }
0x83: {  	_ =	shalt  }
0x84: {  	_ =	shalt  }
0x85: {  	_ =	shalt  }
0x86: {  	_ =	shalt  }
0x87: {  	_ =	shalt  }
.Lfunc_end0:
.L_simem_size_0:
called_computation_lowered:
.L_overlay_start_0:
0x88: {  	s2 =	sld [smem:$0x3FD9]  }
0x89: {  	s3 =	sld [smem:$0x3FFE];
	_ =	sdelay $0x1  }
0x8a: {  	s1 =	srdreg.scid  }
0x8b: {  	s0 =	sand.u32 $0x1, s1  }
0x8c: {  	s14 =	sshll.u32 s0, $0xA;
	s2 =	sadd.s32 s3, s2  }
0x8d: {  	s2 =	sadd.s32 s2, s14  }
0x8e: {  	[smem:$0x3FC5] =	sst s2  }
0x8f: {  	_ = 	snop  }
0x90: {  	s2 =	sld [smem:$0x3FD0];
	_ =	sdelay $0x1  }
0x91: {  	s15 =	sld [smem:$0x3FC9]  }
0x92: {  	s5 =	simm.s32 $0xA;
	s6 =	simm.s32 $0x10;
	s4 =	sld [smem:$0x3FC8]  }
0x93: {  	[smem:s6], [sflag:s5] =	dma.local [hbm:s2], $0x1  }
0x94: {  	_ =	swait.eq [sflag:s5], $0x1  }
0x95: {  	[sflag:s5] =	ssyncset.done $0x0  }
0x96: {  	s16 =	sld [smem:$0x10];
	[sflag:s5] =	ssyncadd.s32 $0xFFFFFFFF  }
0x97: {  	s17 =	sld [smem:$0x11];
	(tm) =	ssettm $0x1  }
0x98: {  	s18 =	sld [smem:$0x3FFB];
	_ =	sdelay $0x3  }
0x99: {  	_ =	strace s18  }
0x9a: {  	s6 =	sld [smem:$0x3FFC];
	_ =	sdelay $0x3  }
0x9b: {  	_ =	strace s6  }
0x9c: {  	s6 =	sld [smem:$0x3FFD];
	_ =	sdelay $0x3  }
0x9d: {  	_ =	strace s6  }
0x9e: {  	_ =	strace $0x8FFFFFFF  }
0x9f: {  	s19 =	sld [smem:$0x3FDB];
	_ =	sdelay $0x1  }
0xa0: {  	s7 =	simm.s32 $_scs_section_size  }
0xa1: {  	s8 =	simm.s32 $_size__tile_overlayer_lowered;
	s9 =	simm.s32 $_tile_overlayer_lowered  }
0xa2: {  	s22 =	simm.s32 $0x1BFF;
	s21 =	sshll.u32 s9, $0x1;
	s6 =	sadd.s32 s7, s19  }
0xa3: {  	s10 =	simm.s32 $0x0;
	s20 =	sshll.u32 s8, $0x1;
	s8 =	sadd.s32 s21, s6  }
0xa4: {  	[timem:s10], [sflag:s22] =	dma.local [hbm:s8], s20  }
0xa5: {  	_ =	swait.ge [sflag:s22], s20  }
0xa6: {  	s7 =	ssub.s32 $0x0, s20;
	[sflag:s22] =	ssyncset.done $0x0  }
0xa7: {  	[sflag:s22] =	ssyncadd.s32 s7;
	_ =	sdelay $0x1  }
0xa8: {  	s23 =	simm.s32 $0x1B8B  }
0xa9: {  	_ =	swait.ge [sflag:s23], $0x1  }
0xaa: {  	[sflag:s23] =	ssyncset.done $0x0  }
0xab: {  	s25 =	simm.s32 $0x1B8E;
	s24 =	sld [smem:$0x3FFE];
	[sflag:s23] =	ssyncadd.s32 $0xFFFFFFFF  }
0xac: {  	s26 =	simm.s32 $execute0_lowered;
	[smem:$0x3FD2] =	sst s25  }
0xad: {  	s8 =	sshll.u32 s26, $0x1;
	_ =	strace $0x80000046;
	[dreg:$0x1] =	wrdreg $0xFFFFFFFF  }
0xae: {  	s28 =	simm.s32 $_size_execute0_lowered;
	s6 =	sadd.s32 s6, s8;
	[dreg:$0x0] =	wrdreg $0x0  }
0xaf: {  	s8 =	sshll.u32 s28, $0x1;
	[dreg:$0x2] =	wrdreg s6  }
0xb0: {  	[dreg:$0x3] =	wrdreg s8  }
0xb1: {  	[dreg:$0x4] =	wrdreg $0xC0  }
0xb2: {  	_ =	task [dreg:s10], $0x5FFFF  }
0xb3: {  	[dreg:$0x1] =	wrdreg $0xFFFFFFFF  }
0xb4: {  	[dreg:$0x0] =	wrdreg $0x60  }
0xb5: {  	[dreg:$0x2] =	wrdreg s15  }
0xb6: {  	[dreg:$0x3] =	wrdreg s4  }
0xb7: {  	[dreg:$0x4] =	wrdreg s24  }
0xb8: {  	[dreg:$0x5] =	wrdreg s16  }
0xb9: {  	[dreg:$0x6] =	wrdreg s17  }
0xba: {  	[dreg:$0x7] =	wrdreg $0x9  }
0xbb: {  	_ =	task.clear_ibuf [dreg:s10], $0x8FFFF;
	_ =	strace $0x90000046  }
0xbc: {  	s29 =	simm.s32 $0x9;
	_ =	strace $0x80000048  }
0xbd: {  	_ =	swait.ge [sflag:s29], $0x1  }
0xbe: {  	[sflag:s29] =	ssyncadd.s32 $0xFFFFFFFF  }
0xbf: {  	_ =	strace $0x90000048  }
0xc0: {  	_ =	sfence  }
0xc1: {  	s30 =	sld [smem:$0x0];
	_ =	sdelay $0x2  }
0xc2: {  	s31 =	sshll.u32 s1, $0xD;
	s1 =	sshrl.u32 s1, $0x2  }
0xc3: {  	s3 =	sand.u32 $0x4000, s31;
	s1 =	sadd.s32 s1, s30  }
0xc4: {  	s0 =	sor.u32 s3, s0;
	s1 =	sshll.u32 s1, $0x11  }
0xc5: {  	s0 =	sor.u32 s1, s0  }
0xc6: {  	s0 =	sadd.s32 $0x8F2B, s0  }
0xc7: {  	[sflag:s0] =	ssyncadd.remote.s32 $0x1  }
0xc8: {  	_ =	sfence.sel $0xFFFF  }
0xc9: {  	[dreg:$0x0] =	wrdreg $0xFFFFFFFF;
	(pc) =	sbr.abs _section_cstart, $3  }
0xca: {  	[dreg:$0x1] =	wrdreg $0xFFFFFFFF  }
0xcb: {  	_ =	task.clear_ibuf [dreg:s10], $0x2FFFF;
	_ =	strace $0x9FFFFFFF  }
0xcc: {  	(tm) =	ssettm $0x7FFFFFFF  }
0xcd: {  	_ =	shalt  }
tec
execute0_lowered:
.L_overlay_start_1:
0x0: {  	(tag) =	ssettag $0x1  }
0x1: {  	s3 =	rddreg [dreg:$0x0]  }
0x2: {  	s4 =	rddreg [dreg:$0x1]  }
0x3: {  	s0 =	rddreg [dreg:$0x2]  }
0x4: {  	s5 =	rddreg [dreg:$0x3]  }
0x5: {  	s1 =	srdreg.scid;
	s6 =	rddreg [dreg:$0x4]  }
0x6: {  	s8 =	stileid.u32;
	s2 =	simm.s32 $0x0;
	s26 =	simm.s32 $0x1  }
0x7: {  	s28 =	simm.s32 $0x80;
	s14 =	simm.s32 $0x3600;
	s15 =	simm.s32 $0x10600  }
0x8: {  	s29 =	simm.s32 $0x100;
	s12 =	simm.s32 $0x6A00;
	s13 =	simm.s32 $0x13A00  }
0x9: {  	s30 =	simm.s32 $0x180;
	s10 =	simm.s32 $0x9E00;
	s11 =	simm.s32 $0x16E00  }
0xa: {  	s31 =	simm.s32 $0x2;
	s25 =	simm.s32 $0x6;
	s1 =	sand.u32 $0x1, s1  }
0xb: {  	p0 =	por $0x0, $0x0;
	[smem:$0x7FF] =	sst s2;
	s7 =	sshll.u32 s1, $0x4  }
0xc: {  	s1 =	ssub.s32 $0x2, s1;
	_ =	strace $0x80000047;
	s7 =	sor.u32 s8, s7  }
0xd: {  	s16 =	sshrl.u32 s1, $0x1;
	s8 =	sshll.u32 s7, $0x6;
	s9 =	smul.u32 $0x1A00, s7  }
0xe: {  	s7 =	smul.u32 $0xD000, s7;
	s1 =	ssub.s32 s1, s16;
	s0 =	sadd.s32 s8, s0  }
0xf: {  	s16 =	simm.s32 $0x9;
	s24 =	smax.u32 s1, $0x1;
	s0 =	sadd.s32 $0xA00, s0  }
0x10: {  	s17 =	sadd.s32 s5, s9;
	s7 =	sshrl.u32 s7, $0x3;
	[dreg:$0x6] =	wrdreg s0  }
0x11: {  	s18 =	sadd.s32 s6, s9;
	p1 =	sne.s32 s24, $0x1;
	[dreg:$0x7] =	wrdreg s17  }
0x12: {  	s19 =	sadd.s32 $0x680, s7;
	[dreg:$0x8] =	wrdreg s18;
	s22 =	sadd.s32 $0xD00, s7  }
0x13: {  	s23 =	sadd.s32 $0x1380, s7;
	s18 =	simm.s32 $0x200;
	s0 =	sadd.s32 $0xFFFFFFFF, s24  }
0x14: {  	s24 =	simm.s32 $0x7;
	s17 =	simm.s32 $0x5;
	s7 =	simm.s32 $0xA  }
.Ltmp0:
0x15: {  	s20 =	sadd.s32 s5, s19;
	s21 =	sadd.s32 s6, s19;
	(pc) =	sbr.rel @!p1 .LBB2_3-.Ltmp0, $4  }
0x16: {  	s8 =	sadd.s32 s5, s22;
	s9 =	sadd.s32 s6, s22;
	s5 =	sadd.s32 s5, s23  }
0x17: {  	s6 =	sadd.s32 s6, s23;
	s22 =	simm.s32 $0x68;
	s1 =	rddreg [dreg:$0x6]  }
0x18: {  	s19 =	simm.s32 $0xD200;
	s23 =	simm.s32 $0x3;
	[dreg:$0x9] =	wrdreg s20  }
0x19: {  	[dreg:$0xa] =	wrdreg s21;
	s21 =	simm.s32 $0x4;
	s20 =	simm.s32 $0x8  }
0x1a: {  	[tilespmem:s2], [sflag:$0x1] =	stream.linear.gather [hbm4b:s1+s2], $0x200, $0x38;
	[tilespmem:$0x1A200] =	vst v63  }
0x1b: {  	_ =	swait.ge [sflag:s26], $0x200  }
0x1c: {  	[sflag:s26] =	ssyncset.done $0x0  }
0x1d: {  	[sflag:s26] =	ssyncadd.s32 $0xFFFFFE00  }
0x1e: {  	[tilespmem:s18], [sflag:$0x2] =	stream.indirect.gather [hbm4b:s3+s22], $0x80, s2, s22, $0xb8;
	[tilespmem:$0x1A200] =	vst v63  }
0x1f: {  	_ = 	snop  }
0x20: {  	[tilespmem:s19], [sflag:$0x6] =	stream.indirect.gather [hbm4b:s4+s22], $0x80, s2, s22, $0xb8;
	[tilespmem:$0x1A200] =	vst v63  }
0x21: {  	_ = 	snop  }
0x22: {  	[tilespmem:s14], [sflag:$0x3] =	stream.indirect.gather [hbm4b:s3+s22], $0x80, s28, s22, $0xb8;
	[tilespmem:$0x1A200] =	vst v63  }
0x23: {  	_ = 	snop  }
0x24: {  	[tilespmem:s15], [sflag:$0x7] =	stream.indirect.gather [hbm4b:s4+s22], $0x80, s28, s22, $0xb8;
	[tilespmem:$0x1A200] =	vst v63  }
0x25: {  	_ = 	snop  }
0x26: {  	[tilespmem:s12], [sflag:$0x4] =	stream.indirect.gather [hbm4b:s3+s22], $0x80, s29, s22, $0xb8;
	[tilespmem:$0x1A200] =	vst v63  }
0x27: {  	_ = 	snop  }
0x28: {  	[tilespmem:s13], [sflag:$0x8] =	stream.indirect.gather [hbm4b:s4+s22], $0x80, s29, s22, $0xb8;
	[tilespmem:$0x1A200] =	vst v63  }
0x29: {  	_ = 	snop  }
0x2a: {  	[tilespmem:s10], [sflag:$0x5] =	stream.indirect.gather [hbm4b:s3+s22], $0x80, s30, s22, $0xb8;
	[tilespmem:$0x1A200] =	vst v63  }
0x2b: {  	_ = 	snop  }
0x2c: {  	[tilespmem:s11], [sflag:$0x9] =	stream.indirect.gather [hbm4b:s4+s22], $0x80, s30, s22, $0xb8;
	[tilespmem:$0x1A200] =	vst v63  }
0x2d: {  	_ =	swait.ge [sflag:s31], $0x3400  }
0x2e: {  	[sflag:s31] =	ssyncset.done $0x0  }
0x2f: {  	[sflag:s31] =	ssyncadd.s32 $0xFFFFCC00  }
0x30: {  	_ =	swait.ge [sflag:s25], $0x3400  }
0x31: {  	[dreg:$0xb] =	wrdreg s0;
	[sflag:s25] =	ssyncset.done $0x0  }
0x32: {  	s1 =	rddreg [dreg:$0x7];
	[sflag:s25] =	ssyncadd.s32 $0xFFFFCC00  }
0x33: {  	[hbm4b:s1+s2] =	stream.linear.scatter [tilespmem:s18], [sflag:$0xA], $0x3400, $0x38;
	[tilespmem:$0x1A200] =	vst v63  }
0x34: {  	s0 =	rddreg [dreg:$0x8]  }
0x35: {  	[hbm4b:s0+s2] =	stream.linear.scatter [tilespmem:s19], [sflag:$0xA], $0x3400, $0x38;
	[tilespmem:$0x1A200] =	vst v63  }
0x36: {  	_ =	swait.ge [sflag:s23], $0x3400  }
0x37: {  	[sflag:s23] =	ssyncset.done $0x0  }
0x38: {  	[sflag:s23] =	ssyncadd.s32 $0xFFFFCC00  }
0x39: {  	_ =	swait.ge [sflag:s24], $0x3400  }
0x3a: {  	[sflag:s24] =	ssyncset.done $0x0  }
0x3b: {  	s0 =	rddreg [dreg:$0x9];
	[sflag:s24] =	ssyncadd.s32 $0xFFFFCC00  }
0x3c: {  	[hbm4b:s0+s2] =	stream.linear.scatter [tilespmem:s14], [sflag:$0xA], $0x3400, $0x38;
	[tilespmem:$0x1A200] =	vst v63  }
0x3d: {  	s1 =	rddreg [dreg:$0xa]  }
0x3e: {  	[hbm4b:s1+s2] =	stream.linear.scatter [tilespmem:s15], [sflag:$0xA], $0x3400, $0x38;
	[tilespmem:$0x1A200] =	vst v63  }
0x3f: {  	_ =	swait.ge [sflag:s21], $0x3400  }
0x40: {  	[sflag:s21] =	ssyncset.done $0x0  }
0x41: {  	[sflag:s21] =	ssyncadd.s32 $0xFFFFCC00  }
0x42: {  	_ =	swait.ge [sflag:s20], $0x3400  }
0x43: {  	[sflag:s20] =	ssyncset.done $0x0  }
0x44: {  	[sflag:s20] =	ssyncadd.s32 $0xFFFFCC00  }
0x45: {  	[hbm4b:s8+s2] =	stream.linear.scatter [tilespmem:s12], [sflag:$0xA], $0x3400, $0x38;
	[tilespmem:$0x1A200] =	vst v63  }
0x46: {  	_ = 	snop  }
0x47: {  	[hbm4b:s9+s2] =	stream.linear.scatter [tilespmem:s13], [sflag:$0xA], $0x3400, $0x38;
	[tilespmem:$0x1A200] =	vst v63  }
0x48: {  	_ =	swait.ge [sflag:s17], $0x3400  }
0x49: {  	[sflag:s17] =	ssyncset.done $0x0  }
0x4a: {  	[sflag:s17] =	ssyncadd.s32 $0xFFFFCC00  }
0x4b: {  	_ =	swait.ge [sflag:s16], $0x3400  }
0x4c: {  	[sflag:s16] =	ssyncset.done $0x0  }
0x4d: {  	[sflag:s16] =	ssyncadd.s32 $0xFFFFCC00  }
0x4e: {  	[hbm4b:s5+s2] =	stream.linear.scatter [tilespmem:s10], [sflag:$0xA], $0x3400, $0x38;
	[tilespmem:$0x1A200] =	vst v63  }
0x4f: {  	_ = 	snop  }
0x50: {  	[hbm4b:s6+s2] =	stream.linear.scatter [tilespmem:s11], [sflag:$0xA], $0x3400, $0x38;
	[tilespmem:$0x1A200] =	vst v63  }
0x51: {  	_ =	swait.ge [sflag:s7], $0x3400  }
0x52: {  	[sflag:s7] =	ssyncset.done $0x0  }
0x53: {  	[sflag:s7] =	ssyncadd.s32 $0xFFFFCC00  }
0x54: {  	_ =	swait.ge [sflag:s7], $0x3400  }
0x55: {  	[sflag:s7] =	ssyncset.done $0x0  }
0x56: {  	[sflag:s7] =	ssyncadd.s32 $0xFFFFCC00  }
0x57: {  	_ =	swait.ge [sflag:s7], $0x3400  }
0x58: {  	[sflag:s7] =	ssyncset.done $0x0  }
0x59: {  	[sflag:s7] =	ssyncadd.s32 $0xFFFFCC00  }
0x5a: {  	_ =	swait.ge [sflag:s7], $0x3400  }
0x5b: {  	[sflag:s7] =	ssyncset.done $0x0  }
0x5c: {  	[sflag:s7] =	ssyncadd.s32 $0xFFFFCC00  }
0x5d: {  	_ =	swait.ge [sflag:s7], $0x3400  }
0x5e: {  	[sflag:s7] =	ssyncset.done $0x0  }
0x5f: {  	[sflag:s7] =	ssyncadd.s32 $0xFFFFCC00  }
0x60: {  	_ =	swait.ge [sflag:s7], $0x3400  }
0x61: {  	[sflag:s7] =	ssyncset.done $0x0  }
0x62: {  	[sflag:s7] =	ssyncadd.s32 $0xFFFFCC00  }
0x63: {  	_ =	swait.ge [sflag:s7], $0x3400  }
0x64: {  	s1 =	rddreg [dreg:$0xb]  }
0x65: {  	p1 =	sne.s32 s1, $0x1  }
.Ltmp1:
0x66: {  	_ = 	snop;
	(pc) =	sbr.rel @!p1 .LBB2_3-.Ltmp1, $4  }
0x67: {  	[sflag:s7] =	ssyncset.done $0x0  }
0x68: {  	[sflag:s7] =	ssyncadd.s32 $0xFFFFCC00  }
0x69: {  	p0 =	por $0x1, $0x1;
	_ =	swait.ge [sflag:s7], $0x3400  }
0x6a: {  	s0 =	sadd.s32 $0xFFFFFFFF, s1;
	s1 =	rddreg [dreg:$0x6];
	[sflag:s7] =	ssyncset.done $0x0  }
.LBB2_2:
0x6b: {  	[sflag:s7] =	ssyncadd.s32 $0xFFFFCC00  }
0x6c: {  	[tilespmem:s2], [sflag:$0x1] =	stream.linear.gather [hbm4b:s1+s2], $0x200, $0x38;
	[tilespmem:$0x1A200] =	vst v63  }
0x6d: {  	_ =	swait.ge [sflag:s26], $0x200  }
0x6e: {  	[sflag:s26] =	ssyncset.done $0x0  }
0x6f: {  	[sflag:s26] =	ssyncadd.s32 $0xFFFFFE00  }
0x70: {  	[tilespmem:s18], [sflag:$0x2] =	stream.indirect.gather [hbm4b:s3+s22], $0x80, s2, s22, $0xb8;
	[tilespmem:$0x1A200] =	vst v63  }
0x71: {  	_ = 	snop  }
0x72: {  	[tilespmem:s19], [sflag:$0x6] =	stream.indirect.gather [hbm4b:s4+s22], $0x80, s2, s22, $0xb8;
	[tilespmem:$0x1A200] =	vst v63  }
0x73: {  	_ = 	snop  }
0x74: {  	[tilespmem:s14], [sflag:$0x3] =	stream.indirect.gather [hbm4b:s3+s22], $0x80, s28, s22, $0xb8;
	[tilespmem:$0x1A200] =	vst v63  }
0x75: {  	_ = 	snop  }
0x76: {  	[tilespmem:s15], [sflag:$0x7] =	stream.indirect.gather [hbm4b:s4+s22], $0x80, s28, s22, $0xb8;
	[tilespmem:$0x1A200] =	vst v63  }
0x77: {  	_ = 	snop  }
0x78: {  	[tilespmem:s12], [sflag:$0x4] =	stream.indirect.gather [hbm4b:s3+s22], $0x80, s29, s22, $0xb8;
	[tilespmem:$0x1A200] =	vst v63  }
0x79: {  	_ = 	snop  }
0x7a: {  	[tilespmem:s13], [sflag:$0x8] =	stream.indirect.gather [hbm4b:s4+s22], $0x80, s29, s22, $0xb8;
	[tilespmem:$0x1A200] =	vst v63  }
0x7b: {  	_ = 	snop  }
0x7c: {  	[tilespmem:s10], [sflag:$0x5] =	stream.indirect.gather [hbm4b:s3+s22], $0x80, s30, s22, $0xb8;
	[tilespmem:$0x1A200] =	vst v63  }
0x7d: {  	_ = 	snop  }
0x7e: {  	[tilespmem:s11], [sflag:$0x9] =	stream.indirect.gather [hbm4b:s4+s22], $0x80, s30, s22, $0xb8;
	[tilespmem:$0x1A200] =	vst v63  }
0x7f: {  	_ =	swait.ge [sflag:s31], $0x3400  }
0x80: {  	[sflag:s31] =	ssyncset.done $0x0  }
0x81: {  	[sflag:s31] =	ssyncadd.s32 $0xFFFFCC00  }
0x82: {  	_ =	swait.ge [sflag:s25], $0x3400  }
0x83: {  	s10 =	smov.u32 s9;
	[sflag:s25] =	ssyncset.done $0x0  }
0x84: {  	s9 =	smov.u32 s8;
	s1 =	rddreg [dreg:$0x7];
	[sflag:s25] =	ssyncadd.s32 $0xFFFFCC00  }
0x85: {  	[hbm4b:s1+s2] =	stream.linear.scatter [tilespmem:s18], [sflag:$0xA], $0x3400, $0x38;
	[tilespmem:$0x1A200] =	vst v63  }
0x86: {  	s8 =	smov.u32 s6;
	s6 =	smov.u32 s5;
	s5 =	rddreg [dreg:$0x8]  }
0x87: {  	[hbm4b:s5+s2] =	stream.linear.scatter [tilespmem:s19], [sflag:$0xA], $0x3400, $0x38;
	[tilespmem:$0x1A200] =	vst v63  }
0x88: {  	_ =	swait.ge [sflag:s23], $0x3400  }
0x89: {  	[sflag:s23] =	ssyncset.done $0x0  }
0x8a: {  	[sflag:s23] =	ssyncadd.s32 $0xFFFFCC00  }
0x8b: {  	_ =	swait.ge [sflag:s24], $0x3400  }
0x8c: {  	[sflag:s24] =	ssyncset.done $0x0  }
0x8d: {  	s1 =	rddreg [dreg:$0x9];
	[sflag:s24] =	ssyncadd.s32 $0xFFFFCC00  }
0x8e: {  	[hbm4b:s1+s2] =	stream.linear.scatter [tilespmem:s14], [sflag:$0xA], $0x3400, $0x38;
	[tilespmem:$0x1A200] =	vst v63  }
0x8f: {  	s5 =	rddreg [dreg:$0xa]  }
0x90: {  	[hbm4b:s5+s2] =	stream.linear.scatter [tilespmem:s15], [sflag:$0xA], $0x3400, $0x38;
	[tilespmem:$0x1A200] =	vst v63  }
0x91: {  	_ =	swait.ge [sflag:s21], $0x3400  }
0x92: {  	[sflag:s21] =	ssyncset.done $0x0  }
0x93: {  	[sflag:s21] =	ssyncadd.s32 $0xFFFFCC00  }
0x94: {  	_ =	swait.ge [sflag:s20], $0x3400  }
0x95: {  	s5 =	smov.u32 s6;
	[sflag:s20] =	ssyncset.done $0x0  }
0x96: {  	s6 =	smov.u32 s8;
	s8 =	smov.u32 s9;
	[sflag:s20] =	ssyncadd.s32 $0xFFFFCC00  }
0x97: {  	[hbm4b:s8+s2] =	stream.linear.scatter [tilespmem:s12], [sflag:$0xA], $0x3400, $0x38;
	[tilespmem:$0x1A200] =	vst v63  }
0x98: {  	s9 =	smov.u32 s10  }
0x99: {  	[hbm4b:s9+s2] =	stream.linear.scatter [tilespmem:s13], [sflag:$0xA], $0x3400, $0x38;
	[tilespmem:$0x1A200] =	vst v63  }
0x9a: {  	_ =	swait.ge [sflag:s17], $0x3400  }
0x9b: {  	[sflag:s17] =	ssyncset.done $0x0  }
0x9c: {  	[sflag:s17] =	ssyncadd.s32 $0xFFFFCC00  }
0x9d: {  	_ =	swait.ge [sflag:s16], $0x3400  }
0x9e: {  	[sflag:s16] =	ssyncset.done $0x0  }
0x9f: {  	s10 =	simm.s32 $0x9E00;
	[sflag:s16] =	ssyncadd.s32 $0xFFFFCC00  }
0xa0: {  	[hbm4b:s5+s2] =	stream.linear.scatter [tilespmem:s10], [sflag:$0xA], $0x3400, $0x38;
	[tilespmem:$0x1A200] =	vst v63  }
0xa1: {  	_ = 	snop  }
0xa2: {  	[hbm4b:s6+s2] =	stream.linear.scatter [tilespmem:s11], [sflag:$0xA], $0x3400, $0x38;
	[tilespmem:$0x1A200] =	vst v63  }
0xa3: {  	_ =	swait.ge [sflag:s7], $0x3400  }
0xa4: {  	[sflag:s7] =	ssyncset.done $0x0  }
0xa5: {  	[sflag:s7] =	ssyncadd.s32 $0xFFFFCC00  }
0xa6: {  	_ =	swait.ge [sflag:s7], $0x3400  }
0xa7: {  	[sflag:s7] =	ssyncset.done $0x0  }
0xa8: {  	[sflag:s7] =	ssyncadd.s32 $0xFFFFCC00  }
0xa9: {  	_ =	swait.ge [sflag:s7], $0x3400  }
0xaa: {  	[sflag:s7] =	ssyncset.done $0x0  }
0xab: {  	[sflag:s7] =	ssyncadd.s32 $0xFFFFCC00  }
0xac: {  	_ =	swait.ge [sflag:s7], $0x3400  }
0xad: {  	[sflag:s7] =	ssyncset.done $0x0  }
0xae: {  	[sflag:s7] =	ssyncadd.s32 $0xFFFFCC00  }
0xaf: {  	_ =	swait.ge [sflag:s7], $0x3400  }
0xb0: {  	[sflag:s7] =	ssyncset.done $0x0  }
0xb1: {  	[sflag:s7] =	ssyncadd.s32 $0xFFFFCC00  }
0xb2: {  	_ =	swait.ge [sflag:s7], $0x3400  }
0xb3: {  	[sflag:s7] =	ssyncset.done $0x0  }
0xb4: {  	p1 =	sne.s32 s0, $0x1;
	[sflag:s7] =	ssyncadd.s32 $0xFFFFCC00  }
.Ltmp2:
0xb5: {  	_ =	swait.ge [sflag:s7], $0x3400;
	(pc) =	sbr.rel @p1 .LBB2_2-.Ltmp2, $4  }
0xb6: {  	[sflag:s7] =	ssyncset.done $0x0  }
0xb7: {  	[sflag:s7] =	ssyncadd.s32 $0xFFFFCC00  }
0xb8: {  	_ =	swait.ge [sflag:s7], $0x3400  }
0xb9: {  	s0 =	sadd.s32 $0xFFFFFFFF, s0;
	s1 =	rddreg [dreg:$0x6];
	[sflag:s7] =	ssyncset.done $0x0  }
.LBB2_3:
0xba: {  	[sflag:s7] =	ssyncadd.s32 @p0 $0xFFFFCC00  }
0xbb: {  	[tilespmem:s2], [sflag:$0x1] =	stream.linear.gather [hbm4b:s1+s2], $0x200, $0x38;
	[tilespmem:$0x1A200] =	vst v63  }
0xbc: {  	_ =	swait.ge [sflag:s26], $0x200  }
0xbd: {  	[sflag:s26] =	ssyncset.done $0x0  }
0xbe: {  	[sflag:s26] =	ssyncadd.s32 $0xFFFFFE00  }
0xbf: {  	[tilespmem:s18], [sflag:$0x2] =	stream.indirect.gather [hbm4b:s3+s22], $0x80, s2, s22, $0xb8;
	[tilespmem:$0x1A200] =	vst v63  }
0xc0: {  	_ = 	snop  }
0xc1: {  	[tilespmem:s19], [sflag:$0x6] =	stream.indirect.gather [hbm4b:s4+s22], $0x80, s2, s22, $0xb8;
	[tilespmem:$0x1A200] =	vst v63  }
0xc2: {  	_ = 	snop  }
0xc3: {  	[tilespmem:s14], [sflag:$0x3] =	stream.indirect.gather [hbm4b:s3+s22], $0x80, s28, s22, $0xb8;
	[tilespmem:$0x1A200] =	vst v63  }
0xc4: {  	_ = 	snop  }
0xc5: {  	[tilespmem:s15], [sflag:$0x7] =	stream.indirect.gather [hbm4b:s4+s22], $0x80, s28, s22, $0xb8;
	[tilespmem:$0x1A200] =	vst v63  }
0xc6: {  	_ = 	snop  }
0xc7: {  	[tilespmem:s12], [sflag:$0x4] =	stream.indirect.gather [hbm4b:s3+s22], $0x80, s29, s22, $0xb8;
	[tilespmem:$0x1A200] =	vst v63  }
0xc8: {  	_ = 	snop  }
0xc9: {  	[tilespmem:s13], [sflag:$0x8] =	stream.indirect.gather [hbm4b:s4+s22], $0x80, s29, s22, $0xb8;
	[tilespmem:$0x1A200] =	vst v63  }
0xca: {  	_ = 	snop  }
0xcb: {  	[tilespmem:s10], [sflag:$0x5] =	stream.indirect.gather [hbm4b:s3+s22], $0x80, s30, s22, $0xb8;
	[tilespmem:$0x1A200] =	vst v63  }
0xcc: {  	_ = 	snop  }
0xcd: {  	[tilespmem:s11], [sflag:$0x9] =	stream.indirect.gather [hbm4b:s4+s22], $0x80, s30, s22, $0xb8;
	[tilespmem:$0x1A200] =	vst v63  }
0xce: {  	_ =	swait.ge [sflag:s31], $0x3400  }
0xcf: {  	[sflag:s31] =	ssyncset.done $0x0  }
0xd0: {  	[sflag:s31] =	ssyncadd.s32 $0xFFFFCC00  }
0xd1: {  	_ =	swait.ge [sflag:s25], $0x3400  }
0xd2: {  	[sflag:s25] =	ssyncset.done $0x0  }
0xd3: {  	s0 =	rddreg [dreg:$0x7];
	[sflag:s25] =	ssyncadd.s32 $0xFFFFCC00  }
0xd4: {  	[hbm4b:s0+s2] =	stream.linear.scatter [tilespmem:s18], [sflag:$0xA], $0x3400, $0x38;
	[tilespmem:$0x1A200] =	vst v63  }
0xd5: {  	s28 =	rddreg [dreg:$0x8]  }
0xd6: {  	[hbm4b:s28+s2] =	stream.linear.scatter [tilespmem:s19], [sflag:$0xA], $0x3400, $0x38;
	[tilespmem:$0x1A200] =	vst v63  }
0xd7: {  	_ =	swait.ge [sflag:s23], $0x3400  }
0xd8: {  	[sflag:s23] =	ssyncset.done $0x0  }
0xd9: {  	[sflag:s23] =	ssyncadd.s32 $0xFFFFCC00  }
0xda: {  	_ =	swait.ge [sflag:s24], $0x3400  }
0xdb: {  	[sflag:s24] =	ssyncset.done $0x0  }
0xdc: {  	s29 =	rddreg [dreg:$0x9];
	[sflag:s24] =	ssyncadd.s32 $0xFFFFCC00  }
0xdd: {  	[hbm4b:s29+s2] =	stream.linear.scatter [tilespmem:s14], [sflag:$0xA], $0x3400, $0x38;
	[tilespmem:$0x1A200] =	vst v63  }
0xde: {  	s30 =	rddreg [dreg:$0xa]  }
0xdf: {  	[hbm4b:s30+s2] =	stream.linear.scatter [tilespmem:s15], [sflag:$0xA], $0x3400, $0x38;
	[tilespmem:$0x1A200] =	vst v63  }
0xe0: {  	_ =	swait.ge [sflag:s21], $0x3400  }
0xe1: {  	[sflag:s21] =	ssyncset.done $0x0  }
0xe2: {  	[sflag:s21] =	ssyncadd.s32 $0xFFFFCC00  }
0xe3: {  	_ =	swait.ge [sflag:s20], $0x3400  }
0xe4: {  	[sflag:s20] =	ssyncset.done $0x0  }
0xe5: {  	[sflag:s20] =	ssyncadd.s32 $0xFFFFCC00  }
0xe6: {  	[hbm4b:s8+s2] =	stream.linear.scatter [tilespmem:s12], [sflag:$0xA], $0x3400, $0x38;
	[tilespmem:$0x1A200] =	vst v63  }
0xe7: {  	_ = 	snop  }
0xe8: {  	[hbm4b:s9+s2] =	stream.linear.scatter [tilespmem:s13], [sflag:$0xA], $0x3400, $0x38;
	[tilespmem:$0x1A200] =	vst v63  }
0xe9: {  	_ =	swait.ge [sflag:s17], $0x3400  }
0xea: {  	[sflag:s17] =	ssyncset.done $0x0  }
0xeb: {  	[sflag:s17] =	ssyncadd.s32 $0xFFFFCC00  }
0xec: {  	_ =	swait.ge [sflag:s16], $0x3400  }
0xed: {  	[sflag:s16] =	ssyncset.done $0x0  }
0xee: {  	[sflag:s16] =	ssyncadd.s32 $0xFFFFCC00  }
0xef: {  	[hbm4b:s5+s2] =	stream.linear.scatter [tilespmem:s10], [sflag:$0xA], $0x3400, $0x38;
	[tilespmem:$0x1A200] =	vst v63  }
0xf0: {  	_ = 	snop  }
0xf1: {  	[hbm4b:s6+s2] =	stream.linear.scatter [tilespmem:s11], [sflag:$0xA], $0x3400, $0x38;
	[tilespmem:$0x1A200] =	vst v63  }
0xf2: {  	_ =	swait.ge [sflag:s7], $0x3400  }
0xf3: {  	[sflag:s7] =	ssyncset.done $0x0  }
0xf4: {  	[sflag:s7] =	ssyncadd.s32 $0xFFFFCC00  }
0xf5: {  	_ =	swait.ge [sflag:s7], $0x3400  }
0xf6: {  	[sflag:s7] =	ssyncset.done $0x0  }
0xf7: {  	[sflag:s7] =	ssyncadd.s32 $0xFFFFCC00  }
0xf8: {  	_ =	swait.ge [sflag:s7], $0x3400  }
0xf9: {  	[sflag:s7] =	ssyncset.done $0x0  }
0xfa: {  	[sflag:s7] =	ssyncadd.s32 $0xFFFFCC00  }
0xfb: {  	_ =	swait.ge [sflag:s7], $0x3400  }
0xfc: {  	[sflag:s7] =	ssyncset.done $0x0  }
0xfd: {  	[sflag:s7] =	ssyncadd.s32 $0xFFFFCC00  }
0xfe: {  	_ =	swait.ge [sflag:s7], $0x3400  }
0xff: {  	[sflag:s7] =	ssyncset.done $0x0  }
0x100: {  	[sflag:s7] =	ssyncadd.s32 $0xFFFFCC00  }
0x101: {  	_ =	swait.ge [sflag:s7], $0x3400  }
0x102: {  	[sflag:s7] =	ssyncset.done $0x0  }
0x103: {  	[sflag:s7] =	ssyncadd.s32 $0xFFFFCC00  }
0x104: {  	_ =	swait.ge [sflag:s7], $0x3400  }
0x105: {  	[sflag:s7] =	ssyncset.done $0x0  }
0x106: {  	[sflag:s7] =	ssyncadd.s32 $0xFFFFCC00  }
0x107: {  	_ =	swait.ge [sflag:s7], $0x3400  }
0x108: {  	[sflag:s7] =	ssyncset.done $0x0  }
0x109: {  	[sflag:s7] =	ssyncadd.s32 $0xFFFFCC00  }
0x10a: {  	_ =	sfence.sel $0x180000  }
0x10b: {  	[bflag:$0x0] =	sbarrier.arrive $0xFFFF  }
0x10c: {  	_ =	strace $0x90000047  }
0x10d: {  	s31 =	stileid.u32;
	[bflag:$0x2] =	sbarrier.arrive $0xFFFF  }
0x10e: {  	p0 =	sne.s32 s31, $0x0;
	s0 =	rddreg [dreg:$0x5]  }
0x10f: {  	s0 =	sadd.s32 @!p0 $0x100000, s0  }
0x110: {  	[sflag:s0] =	ssyncadd.tile.s32 @!p0 $0x1;
	_ =	shalt  }
.Lfunc_end2:
_tile_overlayer_lowered:
.L_overlay_start_2:
0x111: {  	(tag) =	ssettag $0x2  }
0x112: {  	s0 =	rddreg [dreg:$0x0];
	s2 =	stileid.u32  }
0x113: {  	s1 =	rddreg [dreg:$0x1];
	p0 =	sne.s32 s2, $0x0  }
0x114: {  	s3 =	rddreg [dreg:$0x2];
	[bflag:$0x3] =	sbarrier.arrive $0xFFFF;
	s2 =	simm.s32 @!p0 $0x1C0B  }
0x115: {  	[timem:s3], [sflag:s2] =	dma.local @!p0 [hbm:s0], s1  }
0x116: {  	s0 =	simm.s32 @!p0 $0xB  }
0x117: {  	_ =	swait.ge @!p0 [sflag:s0], s1  }
0x118: {  	s1 =	ssub.s32 @!p0 $0x0, s1;
	[sflag:s0] =	ssyncset.done @!p0 $0x0  }
0x119: {  	[sflag:s0] =	ssyncadd.s32 @!p0 s1  }
0x11a: {  	[bflag:$0x3] =	sbarrier.arrive $0xFFFF  }
0x11b: {  	_ =	shalt  }

</sc_bundles>
